<compile_context>
chip_gen: v7x
topology: tpu7x:2x2x1
jax: 0.10.2.dev20260603
libtpu: 0.0.44.dev20260713+nightly
codegen_flags: <defaults>
</compile_context>

<pallas_src>
import functools

import jax
import jax.numpy as jnp
from jax import lax
from jax.experimental import pallas as pl
from jax.experimental.pallas import tpu as pltpu
from jax.experimental.pallas import tpu_sc as plsc

DIM = 128
BATCH = 16384

_info = plsc.get_sparse_core_info()
NC, NS, L = _info.num_cores, _info.num_subcores, _info.num_lanes
NW = NC * NS
BPW = BATCH // NW
NGC = BPW // 128
NSLOT = 6

_sc_mesh = plsc.VectorSubcoreMesh(core_axis_name="c", subcore_axis_name="s")


@functools.partial(
    pl.kernel,
    mesh=_sc_mesh,
    out_type=[jax.ShapeDtypeStruct((BATCH, DIM), jnp.float32) for _ in range(3)],
    scratch_types=[
        pltpu.VMEM((NGC, 128), jnp.int32),
        pltpu.VMEM((NGC, 128), jnp.int32),
        pltpu.VMEM((NSLOT * 128, DIM), jnp.float32),
        pltpu.SemaphoreType.DMA,
        pltpu.SemaphoreType.DMA,
        pltpu.SemaphoreType.DMA,
        pltpu.SemaphoreType.DMA,
    ],
)
def _sc_gather(uidx_hbm, iidx_hbm, tab_mu, tab_mi, tab_gu, tab_gi,
               out_mu, out_mi, out_g, idx_u, idx_i, bufs,
               mgsem, ggsem, mwsem, gwsem):
    wid = lax.axis_index("s") * NC + lax.axis_index("c")
    base = wid * BPW

    def slot(s):
        return bufs.at[pl.ds(s * 128, 128)]

    def out_rows(out, c):
        return out.at[pl.ds(base + c * 128, 128)]

    pltpu.sync_copy(uidx_hbm.at[wid], idx_u)
    pltpu.sync_copy(iidx_hbm.at[wid], idx_i)

    mlp = [(tab_mu if t < 4 else tab_mi,
            (idx_u if t < 4 else idx_i).at[t % 4],
            out_rows(out_mu if t < 4 else out_mi, t % 4),
            4 + t % 2) for t in range(2 * NGC)]
    TM = len(mlp)
    mg = [None] * TM
    mw = [None] * TM
    pg = [None] * NGC
    qg = [None] * NGC
    pw = [None] * NGC

    def gmf_fire(c):
        s = 2 * (c % 2)
        pg[c] = pltpu.async_copy(tab_gu.at[idx_u.at[c]], slot(s), ggsem)
        qg[c] = pltpu.async_copy(tab_gi.at[idx_i.at[c]], slot(s + 1), ggsem)

    def gmf_compute(c):
        pg[c].wait()
        qg[c].wait()
        s = 2 * (c % 2)
        a = slot(s)
        b = slot(s + 1)

        def body(r, _):
            for j in range(DIM // 16):
                sl = pl.ds(j * 16, 16)
                a[r, sl] = a[r, sl] * b[r, sl]
            return 0

        lax.fori_loop(0, 128, body, 0)
        pw[c] = pltpu.async_copy(a, out_rows(out_g, c), gwsem)

    gmf_fire(0)
    gmf_fire(1)
    mg[0] = pltpu.async_copy(mlp[0][0].at[mlp[0][1]], slot(mlp[0][3]), mgsem)
    for t in range(TM):
        if t + 1 < TM:
            if t >= 1:
                mw[t - 1].wait()
            mg[t + 1] = pltpu.async_copy(mlp[t + 1][0].at[mlp[t + 1][1]],
                                         slot(mlp[t + 1][3]), mgsem)
        mg[t].wait()
        mw[t] = pltpu.async_copy(slot(mlp[t][3]), mlp[t][2], mwsem)
        if t % 2 == 0:
            gmf_compute(t // 2)
        elif t < TM - 1:
            c = (t - 1) // 2 + 2
            if c < NGC:
                pw[c - 2].wait()
                gmf_fire(c)
    mw[TM - 2].wait()
    mw[TM - 1].wait()
    for c in range(NGC - 2, NGC):
        pw[c].wait()


_TC_BLK = 8192


def _tc_body(mu_ref, mi_ref, g_ref, w1a_ref, w1b_ref, b1_ref,
             w2_ref, b2_ref, w3_ref, b3_ref, wg_ref, wm_ref, bl_ref, out_ref):
    f32 = jnp.float32
    h = jnp.dot(mu_ref[...], w1a_ref[...], preferred_element_type=f32)
    h += jnp.dot(mi_ref[...], w1b_ref[...], preferred_element_type=f32)
    h = jnp.maximum(h + b1_ref[...], 0.0)
    h = jnp.maximum(jnp.dot(h, w2_ref[...], preferred_element_type=f32)
                    + b2_ref[...], 0.0)
    h = jnp.maximum(jnp.dot(h, w3_ref[...], preferred_element_type=f32)
                    + b3_ref[...], 0.0)
    out = jnp.dot(g_ref[...], wg_ref[...], preferred_element_type=f32)
    out += jnp.dot(h, wm_ref[...], preferred_element_type=f32)
    out_ref[...] = out + bl_ref[...]


def _fixed(shape):
    return pl.BlockSpec(shape, lambda b: (0, 0))


_tc_dense = pl.pallas_call(
    _tc_body,
    grid=(BATCH // _TC_BLK,),
    in_specs=[
        pl.BlockSpec((_TC_BLK, DIM), lambda b: (b, 0)),
        pl.BlockSpec((_TC_BLK, DIM), lambda b: (b, 0)),
        pl.BlockSpec((_TC_BLK, DIM), lambda b: (b, 0)),
        _fixed((DIM, 64)),
        _fixed((DIM, 64)),
        _fixed((1, 64)),
        _fixed((64, 16)),
        _fixed((1, 16)),
        _fixed((16, 8)),
        _fixed((1, 8)),
        _fixed((DIM, 1)),
        _fixed((8, 1)),
        _fixed((1, 1)),
    ],
    out_specs=pl.BlockSpec((_TC_BLK, 1), lambda b: (b, 0)),
    out_shape=jax.ShapeDtypeStruct((BATCH, 1), jnp.float32),
)


def kernel(x, mlp_user_w, mlp_item_w, gmf_user_w, gmf_item_w,
           W1, b1, W2, b2, W3, b3, W_last, b_last):
    u = x[:, 0].astype(jnp.int32).reshape(NW, NGC, 128)
    i = x[:, 1].astype(jnp.int32).reshape(NW, NGC, 128)
    mu, mi, g = _sc_gather(u, i, mlp_user_w, mlp_item_w,
                           gmf_user_w, gmf_item_w)
    w1a = W1[:, :DIM].T
    w1b = W1[:, DIM:].T
    wg = W_last[0, :DIM].reshape(DIM, 1)
    wm = W_last[0, DIM:].reshape(8, 1)
    return _tc_dense(mu, mi, g, w1a, w1b, b1.reshape(1, 64),
                     W2.T, b2.reshape(1, 16), W3.T, b3.reshape(1, 8),
                     wg, wm, b_last.reshape(1, 1))

# --- scband reference (transcript-rebuilt; emitter-appended) ---
"""Pipeline reference for scband-nncf-12386685681839 (READ-ONLY COPY).

The authoritative reference and input builder live on the scoring server;
editing this copy changes nothing except your own understanding.
"""

import jax, jax.numpy as jnp
import numpy as np

NUM_USER = 100000
NUM_ITEM = 100000
DIM = 128
BATCH = 16384


def setup_inputs(seed: int = 0) -> dict:
    key = jax.random.key(seed)
    ks = jax.random.split(key, 14)
    x = jax.random.randint(ks[0], (BATCH, 2), 0, NUM_USER, dtype=jnp.int64 if jax.config.jax_enable_x64 else jnp.int32)
    inp = {
        "x": x,
        "mlp_user_w": jax.random.normal(ks[1], (NUM_USER, DIM), dtype=jnp.float32),
        "mlp_item_w": jax.random.normal(ks[2], (NUM_ITEM, DIM), dtype=jnp.float32),
        "gmf_user_w": jax.random.normal(ks[3], (NUM_USER, DIM), dtype=jnp.float32),
        "gmf_item_w": jax.random.normal(ks[4], (NUM_ITEM, DIM), dtype=jnp.float32),
        "W1": jax.random.normal(ks[5], (64, 2 * DIM), dtype=jnp.float32) * (1.0 / np.sqrt(2 * DIM)),
        "b1": jax.random.normal(ks[6], (64,), dtype=jnp.float32) * 0.01,
        "W2": jax.random.normal(ks[7], (16, 64), dtype=jnp.float32) * (1.0 / np.sqrt(64)),
        "b2": jax.random.normal(ks[8], (16,), dtype=jnp.float32) * 0.01,
        "W3": jax.random.normal(ks[9], (8, 16), dtype=jnp.float32) * (1.0 / np.sqrt(16)),
        "b3": jax.random.normal(ks[10], (8,), dtype=jnp.float32) * 0.01,
        "W_last": jax.random.normal(ks[11], (1, DIM + 8), dtype=jnp.float32) * (1.0 / np.sqrt(DIM + 8)),
        "b_last": jax.random.normal(ks[12], (1,), dtype=jnp.float32) * 0.01,
    }
    return inp


def reference(x, mlp_user_w, mlp_item_w, gmf_user_w, gmf_item_w, W1, b1, W2, b2, W3, b3, W_last, b_last):
    u_idx = x[:, 0]
    i_idx = x[:, 1]
    # MLP branch: embedding gathers + concat + 3-layer MLP with ReLU
    mlp_u = jnp.take(mlp_user_w, u_idx, axis=0)
    mlp_i = jnp.take(mlp_item_w, i_idx, axis=0)
    out_mlp = jnp.concatenate([mlp_u, mlp_i], axis=1)
    out_mlp = jnp.maximum(out_mlp @ W1.T + b1, 0.0)
    out_mlp = jnp.maximum(out_mlp @ W2.T + b2, 0.0)
    out_mlp = jnp.maximum(out_mlp @ W3.T + b3, 0.0)
    # GMF branch: elementwise product of embeddings
    gmf_u = jnp.take(gmf_user_w, u_idx, axis=0)
    gmf_i = jnp.take(gmf_item_w, i_idx, axis=0)
    out_gmf = gmf_u * gmf_i
    out = jnp.concatenate([out_gmf, out_mlp], axis=1) @ W_last.T + b_last
    return out


if False:  # reference __main__ guard neutralized (emitter)
    inp = setup_inputs()
    out = reference(**inp)
    print(out.shape)

if __name__ == "__main__":
    import jax
    _d = setup_inputs()
    print(jax.jit(kernel)(*tuple(_d.values())))

</pallas_src>

<mosaic_0001>
#map = affine_map<(d0, d1) -> (0, 0, 0)>
#map1 = affine_map<(d0, d1) -> (0, 0)>
module attributes {stable_mosaic.version = 14 : i64} {
  func.func @_sc_gather(%arg0: i32, %arg1: i32, %arg2: memref<32x4x128xi32, #tpu.memory_space<hbm>>, %arg3: memref<32x4x128xi32, #tpu.memory_space<hbm>>, %arg4: memref<100000x128xf32, #tpu.memory_space<hbm>>, %arg5: memref<100000x128xf32, #tpu.memory_space<hbm>>, %arg6: memref<100000x128xf32, #tpu.memory_space<hbm>>, %arg7: memref<100000x128xf32, #tpu.memory_space<hbm>>, %arg8: memref<16384x128xf32, #tpu.memory_space<hbm>>, %arg9: memref<16384x128xf32, #tpu.memory_space<hbm>>, %arg10: memref<16384x128xf32, #tpu.memory_space<hbm>>, %arg11: memref<4x128xi32, #tpu.memory_space<vmem>>, %arg12: memref<4x128xi32, #tpu.memory_space<vmem>>, %arg13: memref<768x128xf32, #tpu.memory_space<vmem>>, %arg14: memref<!tpu.dma_semaphore, #tpu.memory_space<semaphore_mem>>, %arg15: memref<!tpu.dma_semaphore, #tpu.memory_space<semaphore_mem>>, %arg16: memref<!tpu.dma_semaphore, #tpu.memory_space<semaphore_mem>>, %arg17: memref<!tpu.dma_semaphore, #tpu.memory_space<semaphore_mem>>) attributes {dimension_semantics = [#tpu.dimension_semantics<core_parallel>, #tpu.dimension_semantics<subcore_parallel>], iteration_bounds = array<i64: 2, 16>, scalar_prefetch = 0 : i64, scratch_operands = 7 : i64, tpu.core_type = #tpu.core_type<sc_vector_subcore>, window_params = [{transform_indices = #map}, {transform_indices = #map}, {transform_indices = #map1}, {transform_indices = #map1}, {transform_indices = #map1}, {transform_indices = #map1}, {transform_indices = #map1}, {transform_indices = #map1}, {transform_indices = #map1}]} {
    %mul3A = arith.constant 2 : i32
    %mul3A_0 = arith.muli %arg1, %mul3A : i32
    %add3A = arith.addi %mul3A_0, %arg0 : i32
    %mul3A_1 = arith.constant 512 : i32
    %mul3A_2 = arith.muli %add3A, %mul3A_1 : i32
    "tpu.region"() ({
      %run_scoped3A = tpu.sem_alloc : memref<!tpu.dma_semaphore, #tpu.memory_space<semaphore_mem>>
      %dma_start3A_612 = arith.constant 0 : i32
      %dma_start3A_613 = arith.constant 0 : i32
      %dma_start3A_614 = tpu.memref_slice %arg2[%add3A, %dma_start3A_612, %dma_start3A_613] : memref<32x4x128xi32, #tpu.memory_space<hbm>> -> memref<1x4x128xi32, #tpu.memory_space<hbm>>
      %dma_start3A_615 = tpu.memref_squeeze %dma_start3A_614 : memref<1x4x128xi32, #tpu.memory_space<hbm>> -> memref<4x128xi32, #tpu.memory_space<hbm>>
      %dma_start3A_616 = arith.constant 0 : i32
      %dma_start3A_617 = arith.constant 0 : i32
      %dma_start3A_618 = tpu.memref_slice %arg2[%add3A, %dma_start3A_616, %dma_start3A_617] : memref<32x4x128xi32, #tpu.memory_space<hbm>> -> memref<1x4x128xi32, #tpu.memory_space<hbm>>
      %dma_start3A_619 = tpu.memref_squeeze %dma_start3A_618 : memref<1x4x128xi32, #tpu.memory_space<hbm>> -> memref<4x128xi32, #tpu.memory_space<hbm>>
      tpu.enqueue_dma source(%dma_start3A_619 : memref<4x128xi32, #tpu.memory_space<hbm>>) target(%arg11 : memref<4x128xi32, #tpu.memory_space<vmem>>) target_semaphore(%run_scoped3A : memref<!tpu.dma_semaphore, #tpu.memory_space<semaphore_mem>>)
      %dma_wait3A_620 = arith.constant 0 : i32
      %dma_wait3A_621 = arith.constant 0 : i32
      %dma_wait3A_622 = tpu.memref_slice %arg2[%add3A, %dma_wait3A_620, %dma_wait3A_621] : memref<32x4x128xi32, #tpu.memory_space<hbm>> -> memref<1x4x128xi32, #tpu.memory_space<hbm>>
      %dma_wait3A_623 = tpu.memref_squeeze %dma_wait3A_622 : memref<1x4x128xi32, #tpu.memory_space<hbm>> -> memref<4x128xi32, #tpu.memory_space<hbm>>
      %dma_wait3A_624 = arith.constant 0 : i32
      %dma_wait3A_625 = arith.constant 0 : i32
      %dma_wait3A_626 = tpu.memref_slice %arg2[%add3A, %dma_wait3A_624, %dma_wait3A_625] : memref<32x4x128xi32, #tpu.memory_space<hbm>> -> memref<1x4x128xi32, #tpu.memory_space<hbm>>
      %dma_wait3A_627 = tpu.memref_squeeze %dma_wait3A_626 : memref<1x4x128xi32, #tpu.memory_space<hbm>> -> memref<4x128xi32, #tpu.memory_space<hbm>>
      tpu.wait_dma2 semaphore(%run_scoped3A : memref<!tpu.dma_semaphore, #tpu.memory_space<semaphore_mem>>) src(%dma_wait3A_627 : memref<4x128xi32, #tpu.memory_space<hbm>>) dst(%arg11 : memref<4x128xi32, #tpu.memory_space<vmem>>)
      tpu.yield
    }) : () -> ()
    "tpu.region"() ({
      %run_scoped3A = tpu.sem_alloc : memref<!tpu.dma_semaphore, #tpu.memory_space<semaphore_mem>>
      %dma_start3A_612 = arith.constant 0 : i32
      %dma_start3A_613 = arith.constant 0 : i32
      %dma_start3A_614 = tpu.memref_slice %arg3[%add3A, %dma_start3A_612, %dma_start3A_613] : memref<32x4x128xi32, #tpu.memory_space<hbm>> -> memref<1x4x128xi32, #tpu.memory_space<hbm>>
      %dma_start3A_615 = tpu.memref_squeeze %dma_start3A_614 : memref<1x4x128xi32, #tpu.memory_space<hbm>> -> memref<4x128xi32, #tpu.memory_space<hbm>>
      %dma_start3A_616 = arith.constant 0 : i32
      %dma_start3A_617 = arith.constant 0 : i32
      %dma_start3A_618 = tpu.memref_slice %arg3[%add3A, %dma_start3A_616, %dma_start3A_617] : memref<32x4x128xi32, #tpu.memory_space<hbm>> -> memref<1x4x128xi32, #tpu.memory_space<hbm>>
      %dma_start3A_619 = tpu.memref_squeeze %dma_start3A_618 : memref<1x4x128xi32, #tpu.memory_space<hbm>> -> memref<4x128xi32, #tpu.memory_space<hbm>>
      tpu.enqueue_dma source(%dma_start3A_619 : memref<4x128xi32, #tpu.memory_space<hbm>>) target(%arg12 : memref<4x128xi32, #tpu.memory_space<vmem>>) target_semaphore(%run_scoped3A : memref<!tpu.dma_semaphore, #tpu.memory_space<semaphore_mem>>)
      %dma_wait3A_620 = arith.constant 0 : i32
      %dma_wait3A_621 = arith.constant 0 : i32
      %dma_wait3A_622 = tpu.memref_slice %arg3[%add3A, %dma_wait3A_620, %dma_wait3A_621] : memref<32x4x128xi32, #tpu.memory_space<hbm>> -> memref<1x4x128xi32, #tpu.memory_space<hbm>>
      %dma_wait3A_623 = tpu.memref_squeeze %dma_wait3A_622 : memref<1x4x128xi32, #tpu.memory_space<hbm>> -> memref<4x128xi32, #tpu.memory_space<hbm>>
      %dma_wait3A_624 = arith.constant 0 : i32
      %dma_wait3A_625 = arith.constant 0 : i32
      %dma_wait3A_626 = tpu.memref_slice %arg3[%add3A, %dma_wait3A_624, %dma_wait3A_625] : memref<32x4x128xi32, #tpu.memory_space<hbm>> -> memref<1x4x128xi32, #tpu.memory_space<hbm>>
      %dma_wait3A_627 = tpu.memref_squeeze %dma_wait3A_626 : memref<1x4x128xi32, #tpu.memory_space<hbm>> -> memref<4x128xi32, #tpu.memory_space<hbm>>
      tpu.wait_dma2 semaphore(%run_scoped3A : memref<!tpu.dma_semaphore, #tpu.memory_space<semaphore_mem>>) src(%dma_wait3A_627 : memref<4x128xi32, #tpu.memory_space<hbm>>) dst(%arg12 : memref<4x128xi32, #tpu.memory_space<vmem>>)
      tpu.yield
    }) : () -> ()
    %add3A_3 = arith.constant 0 : i32
    %add3A_4 = arith.addi %mul3A_2, %add3A_3 : i32
    %add3A_5 = arith.constant 128 : i32
    %add3A_6 = arith.addi %mul3A_2, %add3A_5 : i32
    %add3A_7 = arith.constant 256 : i32
    %add3A_8 = arith.addi %mul3A_2, %add3A_7 : i32
    %add3A_9 = arith.constant 384 : i32
    %add3A_10 = arith.addi %mul3A_2, %add3A_9 : i32
    %add3A_11 = arith.constant 0 : i32
    %add3A_12 = arith.addi %mul3A_2, %add3A_11 : i32
    %add3A_13 = arith.constant 128 : i32
    %add3A_14 = arith.addi %mul3A_2, %add3A_13 : i32
    %add3A_15 = arith.constant 256 : i32
    %add3A_16 = arith.addi %mul3A_2, %add3A_15 : i32
    %add3A_17 = arith.constant 384 : i32
    %add3A_18 = arith.addi %mul3A_2, %add3A_17 : i32
    %dma_start3A = arith.constant 0 : i32
    %dma_start3A_19 = arith.constant 0 : i32
    %dma_start3A_20 = arith.constant 0 : i32
    %dma_start3A_21 = tpu.memref_slice %arg13[%dma_start3A_19, %dma_start3A_20] : memref<768x128xf32, #tpu.memory_space<vmem>> -> memref<128x128xf32, #tpu.memory_space<vmem>>
    %dma_start3A_22 = arith.constant 0 : i32
    %dma_start3A_23 = tpu.memref_slice %arg11[%dma_start3A, %dma_start3A_22] : memref<4x128xi32, #tpu.memory_space<vmem>> -> memref<1x128xi32, #tpu.memory_space<vmem>>
    %dma_start3A_24 = tpu.memref_squeeze %dma_start3A_23 : memref<1x128xi32, #tpu.memory_space<vmem>> -> memref<128xi32, #tpu.memory_space<vmem>>
    %dma_start3A_25 = arith.constant 0 : i32
    %dma_start3A_26 = arith.constant 0 : i32
    %dma_start3A_27 = tpu.memref_slice %arg6[%dma_start3A_25, %dma_start3A_26] : memref<100000x128xf32, #tpu.memory_space<hbm>> -> memref<100000x128xf32, #tpu.memory_space<hbm>>
    tpu.enqueue_indirect_dma source(%dma_start3A_27 : memref<100000x128xf32, #tpu.memory_space<hbm>>) target(%dma_start3A_21 : memref<128x128xf32, #tpu.memory_space<vmem>>) offsets(%dma_start3A_24 : memref<128xi32, #tpu.memory_space<vmem>>) semaphore(%arg15 : memref<!tpu.dma_semaphore, #tpu.memory_space<semaphore_mem>>)
    %dma_start3A_28 = arith.constant 0 : i32
    %dma_start3A_29 = arith.constant 128 : i32
    %dma_start3A_30 = arith.constant 0 : i32
    %dma_start3A_31 = tpu.memref_slice %arg13[%dma_start3A_29, %dma_start3A_30] : memref<768x128xf32, #tpu.memory_space<vmem>> -> memref<128x128xf32, #tpu.memory_space<vmem>>
    %dma_start3A_32 = arith.constant 0 : i32
    %dma_start3A_33 = tpu.memref_slice %arg12[%dma_start3A_28, %dma_start3A_32] : memref<4x128xi32, #tpu.memory_space<vmem>> -> memref<1x128xi32, #tpu.memory_space<vmem>>
    %dma_start3A_34 = tpu.memref_squeeze %dma_start3A_33 : memref<1x128xi32, #tpu.memory_space<vmem>> -> memref<128xi32, #tpu.memory_space<vmem>>
    %dma_start3A_35 = arith.constant 0 : i32
    %dma_start3A_36 = arith.constant 0 : i32
    %dma_start3A_37 = tpu.memref_slice %arg7[%dma_start3A_35, %dma_start3A_36] : memref<100000x128xf32, #tpu.memory_space<hbm>> -> memref<100000x128xf32, #tpu.memory_space<hbm>>
    tpu.enqueue_indirect_dma source(%dma_start3A_37 : memref<100000x128xf32, #tpu.memory_space<hbm>>) target(%dma_start3A_31 : memref<128x128xf32, #tpu.memory_space<vmem>>) offsets(%dma_start3A_34 : memref<128xi32, #tpu.memory_space<vmem>>) semaphore(%arg15 : memref<!tpu.dma_semaphore, #tpu.memory_space<semaphore_mem>>)
    %dma_start3A_38 = arith.constant 1 : i32
    %dma_start3A_39 = arith.constant 256 : i32
    %dma_start3A_40 = arith.constant 0 : i32
    %dma_start3A_41 = tpu.memref_slice %arg13[%dma_start3A_39, %dma_start3A_40] : memref<768x128xf32, #tpu.memory_space<vmem>> -> memref<128x128xf32, #tpu.memory_space<vmem>>
    %dma_start3A_42 = arith.constant 0 : i32
    %dma_start3A_43 = tpu.memref_slice %arg11[%dma_start3A_38, %dma_start3A_42] : memref<4x128xi32, #tpu.memory_space<vmem>> -> memref<1x128xi32, #tpu.memory_space<vmem>>
    %dma_start3A_44 = tpu.memref_squeeze %dma_start3A_43 : memref<1x128xi32, #tpu.memory_space<vmem>> -> memref<128xi32, #tpu.memory_space<vmem>>
    %dma_start3A_45 = arith.constant 0 : i32
    %dma_start3A_46 = arith.constant 0 : i32
    %dma_start3A_47 = tpu.memref_slice %arg6[%dma_start3A_45, %dma_start3A_46] : memref<100000x128xf32, #tpu.memory_space<hbm>> -> memref<100000x128xf32, #tpu.memory_space<hbm>>
    tpu.enqueue_indirect_dma source(%dma_start3A_47 : memref<100000x128xf32, #tpu.memory_space<hbm>>) target(%dma_start3A_41 : memref<128x128xf32, #tpu.memory_space<vmem>>) offsets(%dma_start3A_44 : memref<128xi32, #tpu.memory_space<vmem>>) semaphore(%arg15 : memref<!tpu.dma_semaphore, #tpu.memory_space<semaphore_mem>>)
    %dma_start3A_48 = arith.constant 1 : i32
    %dma_start3A_49 = arith.constant 384 : i32
    %dma_start3A_50 = arith.constant 0 : i32
    %dma_start3A_51 = tpu.memref_slice %arg13[%dma_start3A_49, %dma_start3A_50] : memref<768x128xf32, #tpu.memory_space<vmem>> -> memref<128x128xf32, #tpu.memory_space<vmem>>
    %dma_start3A_52 = arith.constant 0 : i32
    %dma_start3A_53 = tpu.memref_slice %arg12[%dma_start3A_48, %dma_start3A_52] : memref<4x128xi32, #tpu.memory_space<vmem>> -> memref<1x128xi32, #tpu.memory_space<vmem>>
    %dma_start3A_54 = tpu.memref_squeeze %dma_start3A_53 : memref<1x128xi32, #tpu.memory_space<vmem>> -> memref<128xi32, #tpu.memory_space<vmem>>
    %dma_start3A_55 = arith.constant 0 : i32
    %dma_start3A_56 = arith.constant 0 : i32
    %dma_start3A_57 = tpu.memref_slice %arg7[%dma_start3A_55, %dma_start3A_56] : memref<100000x128xf32, #tpu.memory_space<hbm>> -> memref<100000x128xf32, #tpu.memory_space<hbm>>
    tpu.enqueue_indirect_dma source(%dma_start3A_57 : memref<100000x128xf32, #tpu.memory_space<hbm>>) target(%dma_start3A_51 : memref<128x128xf32, #tpu.memory_space<vmem>>) offsets(%dma_start3A_54 : memref<128xi32, #tpu.memory_space<vmem>>) semaphore(%arg15 : memref<!tpu.dma_semaphore, #tpu.memory_space<semaphore_mem>>)
    %dma_start3A_58 = arith.constant 0 : i32
    %dma_start3A_59 = arith.constant 512 : i32
    %dma_start3A_60 = arith.constant 0 : i32
    %dma_start3A_61 = tpu.memref_slice %arg13[%dma_start3A_59, %dma_start3A_60] : memref<768x128xf32, #tpu.memory_space<vmem>> -> memref<128x128xf32, #tpu.memory_space<vmem>>
    %dma_start3A_62 = arith.constant 0 : i32
    %dma_start3A_63 = tpu.memref_slice %arg11[%dma_start3A_58, %dma_start3A_62] : memref<4x128xi32, #tpu.memory_space<vmem>> -> memref<1x128xi32, #tpu.memory_space<vmem>>
    %dma_start3A_64 = tpu.memref_squeeze %dma_start3A_63 : memref<1x128xi32, #tpu.memory_space<vmem>> -> memref<128xi32, #tpu.memory_space<vmem>>
    %dma_start3A_65 = arith.constant 0 : i32
    %dma_start3A_66 = arith.constant 0 : i32
    %dma_start3A_67 = tpu.memref_slice %arg4[%dma_start3A_65, %dma_start3A_66] : memref<100000x128xf32, #tpu.memory_space<hbm>> -> memref<100000x128xf32, #tpu.memory_space<hbm>>
    tpu.enqueue_indirect_dma source(%dma_start3A_67 : memref<100000x128xf32, #tpu.memory_space<hbm>>) target(%dma_start3A_61 : memref<128x128xf32, #tpu.memory_space<vmem>>) offsets(%dma_start3A_64 : memref<128xi32, #tpu.memory_space<vmem>>) semaphore(%arg14 : memref<!tpu.dma_semaphore, #tpu.memory_space<semaphore_mem>>)
    %dma_start3A_68 = arith.constant 1 : i32
    %dma_start3A_69 = arith.constant 640 : i32
    %dma_start3A_70 = arith.constant 0 : i32
    %dma_start3A_71 = tpu.memref_slice %arg13[%dma_start3A_69, %dma_start3A_70] : memref<768x128xf32, #tpu.memory_space<vmem>> -> memref<128x128xf32, #tpu.memory_space<vmem>>
    %dma_start3A_72 = arith.constant 0 : i32
    %dma_start3A_73 = tpu.memref_slice %arg11[%dma_start3A_68, %dma_start3A_72] : memref<4x128xi32, #tpu.memory_space<vmem>> -> memref<1x128xi32, #tpu.memory_space<vmem>>
    %dma_start3A_74 = tpu.memref_squeeze %dma_start3A_73 : memref<1x128xi32, #tpu.memory_space<vmem>> -> memref<128xi32, #tpu.memory_space<vmem>>
    %dma_start3A_75 = arith.constant 0 : i32
    %dma_start3A_76 = arith.constant 0 : i32
    %dma_start3A_77 = tpu.memref_slice %arg4[%dma_start3A_75, %dma_start3A_76] : memref<100000x128xf32, #tpu.memory_space<hbm>> -> memref<100000x128xf32, #tpu.memory_space<hbm>>
    tpu.enqueue_indirect_dma source(%dma_start3A_77 : memref<100000x128xf32, #tpu.memory_space<hbm>>) target(%dma_start3A_71 : memref<128x128xf32, #tpu.memory_space<vmem>>) offsets(%dma_start3A_74 : memref<128xi32, #tpu.memory_space<vmem>>) semaphore(%arg14 : memref<!tpu.dma_semaphore, #tpu.memory_space<semaphore_mem>>)
    %dma_wait3A = arith.constant 0 : i32
    %dma_wait3A_78 = arith.constant 512 : i32
    %dma_wait3A_79 = arith.constant 0 : i32
    %dma_wait3A_80 = tpu.memref_slice %arg13[%dma_wait3A_78, %dma_wait3A_79] : memref<768x128xf32, #tpu.memory_space<vmem>> -> memref<128x128xf32, #tpu.memory_space<vmem>>
    %dma_wait3A_81 = arith.constant 0 : i32
    %dma_wait3A_82 = tpu.memref_slice %arg11[%dma_wait3A, %dma_wait3A_81] : memref<4x128xi32, #tpu.memory_space<vmem>> -> memref<1x128xi32, #tpu.memory_space<vmem>>
    %dma_wait3A_83 = tpu.memref_squeeze %dma_wait3A_82 : memref<1x128xi32, #tpu.memory_space<vmem>> -> memref<128xi32, #tpu.memory_space<vmem>>
    %dma_wait3A_84 = arith.constant 0 : i32
    %dma_wait3A_85 = arith.constant 0 : i32
    %dma_wait3A_86 = tpu.memref_slice %arg4[%dma_wait3A_84, %dma_wait3A_85] : memref<100000x128xf32, #tpu.memory_space<hbm>> -> memref<100000x128xf32, #tpu.memory_space<hbm>>
    tpu.wait_indirect_dma semaphore(%arg14 : memref<!tpu.dma_semaphore, #tpu.memory_space<semaphore_mem>>) src(%dma_wait3A_86 : memref<100000x128xf32, #tpu.memory_space<hbm>>) dst(%dma_wait3A_80 : memref<128x128xf32, #tpu.memory_space<vmem>>)
    %dma_start3A_87 = arith.constant 512 : i32
    %dma_start3A_88 = arith.constant 0 : i32
    %dma_start3A_89 = tpu.memref_slice %arg13[%dma_start3A_87, %dma_start3A_88] : memref<768x128xf32, #tpu.memory_space<vmem>> -> memref<128x128xf32, #tpu.memory_space<vmem>>
    %dma_start3A_90 = arith.constant 0 : i32
    %dma_start3A_91 = tpu.memref_slice %arg8[%add3A_4, %dma_start3A_90] : memref<16384x128xf32, #tpu.memory_space<hbm>> -> memref<128x128xf32, #tpu.memory_space<hbm>>
    %dma_start3A_92 = arith.constant 0 : i32
    %dma_start3A_93 = tpu.memref_slice %arg8[%add3A_4, %dma_start3A_92] : memref<16384x128xf32, #tpu.memory_space<hbm>> -> memref<128x128xf32, #tpu.memory_space<hbm>>
    %dma_start3A_94 = arith.constant 512 : i32
    %dma_start3A_95 = arith.constant 0 : i32
    %dma_start3A_96 = tpu.memref_slice %arg13[%dma_start3A_94, %dma_start3A_95] : memref<768x128xf32, #tpu.memory_space<vmem>> -> memref<128x128xf32, #tpu.memory_space<vmem>>
    tpu.enqueue_dma source(%dma_start3A_96 : memref<128x128xf32, #tpu.memory_space<vmem>>) target(%dma_start3A_93 : memref<128x128xf32, #tpu.memory_space<hbm>>) target_semaphore(%arg16 : memref<!tpu.dma_semaphore, #tpu.memory_space<semaphore_mem>>)
    %dma_wait3A_97 = arith.constant 0 : i32
    %dma_wait3A_98 = arith.constant 0 : i32
    %dma_wait3A_99 = arith.constant 0 : i32
    %dma_wait3A_100 = tpu.memref_slice %arg13[%dma_wait3A_98, %dma_wait3A_99] : memref<768x128xf32, #tpu.memory_space<vmem>> -> memref<128x128xf32, #tpu.memory_space<vmem>>
    %dma_wait3A_101 = arith.constant 0 : i32
    %dma_wait3A_102 = tpu.memref_slice %arg11[%dma_wait3A_97, %dma_wait3A_101] : memref<4x128xi32, #tpu.memory_space<vmem>> -> memref<1x128xi32, #tpu.memory_space<vmem>>
    %dma_wait3A_103 = tpu.memref_squeeze %dma_wait3A_102 : memref<1x128xi32, #tpu.memory_space<vmem>> -> memref<128xi32, #tpu.memory_space<vmem>>
    %dma_wait3A_104 = arith.constant 0 : i32
    %dma_wait3A_105 = arith.constant 0 : i32
    %dma_wait3A_106 = tpu.memref_slice %arg6[%dma_wait3A_104, %dma_wait3A_105] : memref<100000x128xf32, #tpu.memory_space<hbm>> -> memref<100000x128xf32, #tpu.memory_space<hbm>>
    tpu.wait_indirect_dma semaphore(%arg15 : memref<!tpu.dma_semaphore, #tpu.memory_space<semaphore_mem>>) src(%dma_wait3A_106 : memref<100000x128xf32, #tpu.memory_space<hbm>>) dst(%dma_wait3A_100 : memref<128x128xf32, #tpu.memory_space<vmem>>)
    %dma_wait3A_107 = arith.constant 0 : i32
    %dma_wait3A_108 = arith.constant 128 : i32
    %dma_wait3A_109 = arith.constant 0 : i32
    %dma_wait3A_110 = tpu.memref_slice %arg13[%dma_wait3A_108, %dma_wait3A_109] : memref<768x128xf32, #tpu.memory_space<vmem>> -> memref<128x128xf32, #tpu.memory_space<vmem>>
    %dma_wait3A_111 = arith.constant 0 : i32
    %dma_wait3A_112 = tpu.memref_slice %arg12[%dma_wait3A_107, %dma_wait3A_111] : memref<4x128xi32, #tpu.memory_space<vmem>> -> memref<1x128xi32, #tpu.memory_space<vmem>>
    %dma_wait3A_113 = tpu.memref_squeeze %dma_wait3A_112 : memref<1x128xi32, #tpu.memory_space<vmem>> -> memref<128xi32, #tpu.memory_space<vmem>>
    %dma_wait3A_114 = arith.constant 0 : i32
    %dma_wait3A_115 = arith.constant 0 : i32
    %dma_wait3A_116 = tpu.memref_slice %arg7[%dma_wait3A_114, %dma_wait3A_115] : memref<100000x128xf32, #tpu.memory_space<hbm>> -> memref<100000x128xf32, #tpu.memory_space<hbm>>
    tpu.wait_indirect_dma semaphore(%arg15 : memref<!tpu.dma_semaphore, #tpu.memory_space<semaphore_mem>>) src(%dma_wait3A_116 : memref<100000x128xf32, #tpu.memory_space<hbm>>) dst(%dma_wait3A_110 : memref<128x128xf32, #tpu.memory_space<vmem>>)
    %scan3A = arith.constant 0 : i32
    %scan3A_117 = arith.constant 0 : i32
    %scan3A_118 = arith.constant 128 : i32
    %scan3A_119 = arith.addi %scan3A_117, %scan3A_118 : i32
    %scan3A_120 = arith.constant 1 : i32
    %scan3A_121 = scf.for %scan3A_612 = %scan3A_117 to %scan3A_119 step %scan3A_120 iter_args(%scan3A_613 = %scan3A) -> (i32)  : i32 {
      %get3A = arith.constant 0 : i32
      %get3A_614 = arith.constant 0 : i32
      %get3A_615 = tpu.memref_slice %arg13[%get3A, %get3A_614] : memref<768x128xf32, #tpu.memory_space<vmem>> -> memref<128x128xf32, #tpu.memory_space<vmem>>
      %get3A_616 = arith.index_cast %scan3A_612 : i32 to index
      %get3A_617 = arith.constant 0 : index
      %get3A_618 = tpu.vector_load %get3A_615[%get3A_616, %get3A_617] {strides = array<i32>} : memref<128x128xf32, #tpu.memory_space<vmem>>, vector<1x16xf32>,
      %get3A_619 = vector.shape_cast %get3A_618 : vector<1x16xf32> to vector<16xf32>
      %get3A_620 = arith.constant 128 : i32
      %get3A_621 = arith.constant 0 : i32
      %get3A_622 = tpu.memref_slice %arg13[%get3A_620, %get3A_621] : memref<768x128xf32, #tpu.memory_space<vmem>> -> memref<128x128xf32, #tpu.memory_space<vmem>>
      %get3A_623 = arith.index_cast %scan3A_612 : i32 to index
      %get3A_624 = arith.constant 0 : index
      %get3A_625 = tpu.vector_load %get3A_622[%get3A_623, %get3A_624] {strides = array<i32>} : memref<128x128xf32, #tpu.memory_space<vmem>>, vector<1x16xf32>,
      %get3A_626 = vector.shape_cast %get3A_625 : vector<1x16xf32> to vector<16xf32>
      %mul3A_627 = arith.mulf %get3A_619, %get3A_626 : vector<16xf32>
      %swap3A = arith.constant 0 : i32
      %swap3A_628 = arith.constant 0 : i32
      %swap3A_629 = tpu.memref_slice %arg13[%swap3A, %swap3A_628] : memref<768x128xf32, #tpu.memory_space<vmem>> -> memref<128x128xf32, #tpu.memory_space<vmem>>
      %swap3A_630 = arith.index_cast %scan3A_612 : i32 to index
      %swap3A_631 = arith.constant 0 : index
      %swap3A_632 = tpu.vector_load %swap3A_629[%swap3A_630, %swap3A_631] {strides = array<i32>} : memref<128x128xf32, #tpu.memory_space<vmem>>, vector<1x16xf32>,
      %swap3A_633 = vector.shape_cast %swap3A_632 : vector<1x16xf32> to vector<16xf32>
      %swap3A_634 = vector.shape_cast %mul3A_627 : vector<16xf32> to vector<1x16xf32>
      tpu.vector_store %swap3A_629[%swap3A_630, %swap3A_631], %swap3A_634 {strides = array<i32>} : memref<128x128xf32, #tpu.memory_space<vmem>>, vector<1x16xf32>,
      %get3A_635 = arith.constant 0 : i32
      %get3A_636 = arith.constant 0 : i32
      %get3A_637 = tpu.memref_slice %arg13[%get3A_635, %get3A_636] : memref<768x128xf32, #tpu.memory_space<vmem>> -> memref<128x128xf32, #tpu.memory_space<vmem>>
      %get3A_638 = arith.index_cast %scan3A_612 : i32 to index
      %get3A_639 = arith.constant 16 : index
      %get3A_640 = tpu.vector_load %get3A_637[%get3A_638, %get3A_639] {strides = array<i32>} : memref<128x128xf32, #tpu.memory_space<vmem>>, vector<1x16xf32>,
      %get3A_641 = vector.shape_cast %get3A_640 : vector<1x16xf32> to vector<16xf32>
      %get3A_642 = arith.constant 128 : i32
      %get3A_643 = arith.constant 0 : i32
      %get3A_644 = tpu.memref_slice %arg13[%get3A_642, %get3A_643] : memref<768x128xf32, #tpu.memory_space<vmem>> -> memref<128x128xf32, #tpu.memory_space<vmem>>
      %get3A_645 = arith.index_cast %scan3A_612 : i32 to index
      %get3A_646 = arith.constant 16 : index
      %get3A_647 = tpu.vector_load %get3A_644[%get3A_645, %get3A_646] {strides = array<i32>} : memref<128x128xf32, #tpu.memory_space<vmem>>, vector<1x16xf32>,
      %get3A_648 = vector.shape_cast %get3A_647 : vector<1x16xf32> to vector<16xf32>
      %mul3A_649 = arith.mulf %get3A_641, %get3A_648 : vector<16xf32>
      %swap3A_650 = arith.constant 0 : i32
      %swap3A_651 = arith.constant 0 : i32
      %swap3A_652 = tpu.memref_slice %arg13[%swap3A_650, %swap3A_651] : memref<768x128xf32, #tpu.memory_space<vmem>> -> memref<128x128xf32, #tpu.memory_space<vmem>>
      %swap3A_653 = arith.index_cast %scan3A_612 : i32 to index
      %swap3A_654 = arith.constant 16 : index
      %swap3A_655 = tpu.vector_load %swap3A_652[%swap3A_653, %swap3A_654] {strides = array<i32>} : memref<128x128xf32, #tpu.memory_space<vmem>>, vector<1x16xf32>,
      %swap3A_656 = vector.shape_cast %swap3A_655 : vector<1x16xf32> to vector<16xf32>
      %swap3A_657 = vector.shape_cast %mul3A_649 : vector<16xf32> to vector<1x16xf32>
      tpu.vector_store %swap3A_652[%swap3A_653, %swap3A_654], %swap3A_657 {strides = array<i32>} : memref<128x128xf32, #tpu.memory_space<vmem>>, vector<1x16xf32>,
      %get3A_658 = arith.constant 0 : i32
      %get3A_659 = arith.constant 0 : i32
      %get3A_660 = tpu.memref_slice %arg13[%get3A_658, %get3A_659] : memref<768x128xf32, #tpu.memory_space<vmem>> -> memref<128x128xf32, #tpu.memory_space<vmem>>
      %get3A_661 = arith.index_cast %scan3A_612 : i32 to index
      %get3A_662 = arith.constant 32 : index
      %get3A_663 = tpu.vector_load %get3A_660[%get3A_661, %get3A_662] {strides = array<i32>} : memref<128x128xf32, #tpu.memory_space<vmem>>, vector<1x16xf32>,
      %get3A_664 = vector.shape_cast %get3A_663 : vector<1x16xf32> to vector<16xf32>
      %get3A_665 = arith.constant 128 : i32
      %get3A_666 = arith.constant 0 : i32
      %get3A_667 = tpu.memref_slice %arg13[%get3A_665, %get3A_666] : memref<768x128xf32, #tpu.memory_space<vmem>> -> memref<128x128xf32, #tpu.memory_space<vmem>>
      %get3A_668 = arith.index_cast %scan3A_612 : i32 to index
      %get3A_669 = arith.constant 32 : index
      %get3A_670 = tpu.vector_load %get3A_667[%get3A_668, %get3A_669] {strides = array<i32>} : memref<128x128xf32, #tpu.memory_space<vmem>>, vector<1x16xf32>,
      %get3A_671 = vector.shape_cast %get3A_670 : vector<1x16xf32> to vector<16xf32>
      %mul3A_672 = arith.mulf %get3A_664, %get3A_671 : vector<16xf32>
      %swap3A_673 = arith.constant 0 : i32
      %swap3A_674 = arith.constant 0 : i32
      %swap3A_675 = tpu.memref_slice %arg13[%swap3A_673, %swap3A_674] : memref<768x128xf32, #tpu.memory_space<vmem>> -> memref<128x128xf32, #tpu.memory_space<vmem>>
      %swap3A_676 = arith.index_cast %scan3A_612 : i32 to index
      %swap3A_677 = arith.constant 32 : index
      %swap3A_678 = tpu.vector_load %swap3A_675[%swap3A_676, %swap3A_677] {strides = array<i32>} : memref<128x128xf32, #tpu.memory_space<vmem>>, vector<1x16xf32>,
      %swap3A_679 = vector.shape_cast %swap3A_678 : vector<1x16xf32> to vector<16xf32>
      %swap3A_680 = vector.shape_cast %mul3A_672 : vector<16xf32> to vector<1x16xf32>
      tpu.vector_store %swap3A_675[%swap3A_676, %swap3A_677], %swap3A_680 {strides = array<i32>} : memref<128x128xf32, #tpu.memory_space<vmem>>, vector<1x16xf32>,
      %get3A_681 = arith.constant 0 : i32
      %get3A_682 = arith.constant 0 : i32
      %get3A_683 = tpu.memref_slice %arg13[%get3A_681, %get3A_682] : memref<768x128xf32, #tpu.memory_space<vmem>> -> memref<128x128xf32, #tpu.memory_space<vmem>>
      %get3A_684 = arith.index_cast %scan3A_612 : i32 to index
      %get3A_685 = arith.constant 48 : index
      %get3A_686 = tpu.vector_load %get3A_683[%get3A_684, %get3A_685] {strides = array<i32>} : memref<128x128xf32, #tpu.memory_space<vmem>>, vector<1x16xf32>,
      %get3A_687 = vector.shape_cast %get3A_686 : vector<1x16xf32> to vector<16xf32>
      %get3A_688 = arith.constant 128 : i32
      %get3A_689 = arith.constant 0 : i32
      %get3A_690 = tpu.memref_slice %arg13[%get3A_688, %get3A_689] : memref<768x128xf32, #tpu.memory_space<vmem>> -> memref<128x128xf32, #tpu.memory_space<vmem>>
      %get3A_691 = arith.index_cast %scan3A_612 : i32 to index
      %get3A_692 = arith.constant 48 : index
      %get3A_693 = tpu.vector_load %get3A_690[%get3A_691, %get3A_692] {strides = array<i32>} : memref<128x128xf32, #tpu.memory_space<vmem>>, vector<1x16xf32>,
      %get3A_694 = vector.shape_cast %get3A_693 : vector<1x16xf32> to vector<16xf32>
      %mul3A_695 = arith.mulf %get3A_687, %get3A_694 : vector<16xf32>
      %swap3A_696 = arith.constant 0 : i32
      %swap3A_697 = arith.constant 0 : i32
      %swap3A_698 = tpu.memref_slice %arg13[%swap3A_696, %swap3A_697] : memref<768x128xf32, #tpu.memory_space<vmem>> -> memref<128x128xf32, #tpu.memory_space<vmem>>
      %swap3A_699 = arith.index_cast %scan3A_612 : i32 to index
      %swap3A_700 = arith.constant 48 : index
      %swap3A_701 = tpu.vector_load %swap3A_698[%swap3A_699, %swap3A_700] {strides = array<i32>} : memref<128x128xf32, #tpu.memory_space<vmem>>, vector<1x16xf32>,
      %swap3A_702 = vector.shape_cast %swap3A_701 : vector<1x16xf32> to vector<16xf32>
      %swap3A_703 = vector.shape_cast %mul3A_695 : vector<16xf32> to vector<1x16xf32>
      tpu.vector_store %swap3A_698[%swap3A_699, %swap3A_700], %swap3A_703 {strides = array<i32>} : memref<128x128xf32, #tpu.memory_space<vmem>>, vector<1x16xf32>,
      %get3A_704 = arith.constant 0 : i32
      %get3A_705 = arith.constant 0 : i32
      %get3A_706 = tpu.memref_slice %arg13[%get3A_704, %get3A_705] : memref<768x128xf32, #tpu.memory_space<vmem>> -> memref<128x128xf32, #tpu.memory_space<vmem>>
      %get3A_707 = arith.index_cast %scan3A_612 : i32 to index
      %get3A_708 = arith.constant 64 : index
      %get3A_709 = tpu.vector_load %get3A_706[%get3A_707, %get3A_708] {strides = array<i32>} : memref<128x128xf32, #tpu.memory_space<vmem>>, vector<1x16xf32>,
      %get3A_710 = vector.shape_cast %get3A_709 : vector<1x16xf32> to vector<16xf32>
      %get3A_711 = arith.constant 128 : i32
      %get3A_712 = arith.constant 0 : i32
      %get3A_713 = tpu.memref_slice %arg13[%get3A_711, %get3A_712] : memref<768x128xf32, #tpu.memory_space<vmem>> -> memref<128x128xf32, #tpu.memory_space<vmem>>
      %get3A_714 = arith.index_cast %scan3A_612 : i32 to index
      %get3A_715 = arith.constant 64 : index
      %get3A_716 = tpu.vector_load %get3A_713[%get3A_714, %get3A_715] {strides = array<i32>} : memref<128x128xf32, #tpu.memory_space<vmem>>, vector<1x16xf32>,
      %get3A_717 = vector.shape_cast %get3A_716 : vector<1x16xf32> to vector<16xf32>
      %mul3A_718 = arith.mulf %get3A_710, %get3A_717 : vector<16xf32>
      %swap3A_719 = arith.constant 0 : i32
      %swap3A_720 = arith.constant 0 : i32
      %swap3A_721 = tpu.memref_slice %arg13[%swap3A_719, %swap3A_720] : memref<768x128xf32, #tpu.memory_space<vmem>> -> memref<128x128xf32, #tpu.memory_space<vmem>>
      %swap3A_722 = arith.index_cast %scan3A_612 : i32 to index
      %swap3A_723 = arith.constant 64 : index
      %swap3A_724 = tpu.vector_load %swap3A_721[%swap3A_722, %swap3A_723] {strides = array<i32>} : memref<128x128xf32, #tpu.memory_space<vmem>>, vector<1x16xf32>,
      %swap3A_725 = vector.shape_cast %swap3A_724 : vector<1x16xf32> to vector<16xf32>
      %swap3A_726 = vector.shape_cast %mul3A_718 : vector<16xf32> to vector<1x16xf32>
      tpu.vector_store %swap3A_721[%swap3A_722, %swap3A_723], %swap3A_726 {strides = array<i32>} : memref<128x128xf32, #tpu.memory_space<vmem>>, vector<1x16xf32>,
      %get3A_727 = arith.constant 0 : i32
      %get3A_728 = arith.constant 0 : i32
      %get3A_729 = tpu.memref_slice %arg13[%get3A_727, %get3A_728] : memref<768x128xf32, #tpu.memory_space<vmem>> -> memref<128x128xf32, #tpu.memory_space<vmem>>
      %get3A_730 = arith.index_cast %scan3A_612 : i32 to index
      %get3A_731 = arith.constant 80 : index
      %get3A_732 = tpu.vector_load %get3A_729[%get3A_730, %get3A_731] {strides = array<i32>} : memref<128x128xf32, #tpu.memory_space<vmem>>, vector<1x16xf32>,
      %get3A_733 = vector.shape_cast %get3A_732 : vector<1x16xf32> to vector<16xf32>
      %get3A_734 = arith.constant 128 : i32
      %get3A_735 = arith.constant 0 : i32
      %get3A_736 = tpu.memref_slice %arg13[%get3A_734, %get3A_735] : memref<768x128xf32, #tpu.memory_space<vmem>> -> memref<128x128xf32, #tpu.memory_space<vmem>>
      %get3A_737 = arith.index_cast %scan3A_612 : i32 to index
      %get3A_738 = arith.constant 80 : index
      %get3A_739 = tpu.vector_load %get3A_736[%get3A_737, %get3A_738] {strides = array<i32>} : memref<128x128xf32, #tpu.memory_space<vmem>>, vector<1x16xf32>,
      %get3A_740 = vector.shape_cast %get3A_739 : vector<1x16xf32> to vector<16xf32>
      %mul3A_741 = arith.mulf %get3A_733, %get3A_740 : vector<16xf32>
      %swap3A_742 = arith.constant 0 : i32
      %swap3A_743 = arith.constant 0 : i32
      %swap3A_744 = tpu.memref_slice %arg13[%swap3A_742, %swap3A_743] : memref<768x128xf32, #tpu.memory_space<vmem>> -> memref<128x128xf32, #tpu.memory_space<vmem>>
      %swap3A_745 = arith.index_cast %scan3A_612 : i32 to index
      %swap3A_746 = arith.constant 80 : index
      %swap3A_747 = tpu.vector_load %swap3A_744[%swap3A_745, %swap3A_746] {strides = array<i32>} : memref<128x128xf32, #tpu.memory_space<vmem>>, vector<1x16xf32>,
      %swap3A_748 = vector.shape_cast %swap3A_747 : vector<1x16xf32> to vector<16xf32>
      %swap3A_749 = vector.shape_cast %mul3A_741 : vector<16xf32> to vector<1x16xf32>
      tpu.vector_store %swap3A_744[%swap3A_745, %swap3A_746], %swap3A_749 {strides = array<i32>} : memref<128x128xf32, #tpu.memory_space<vmem>>, vector<1x16xf32>,
      %get3A_750 = arith.constant 0 : i32
      %get3A_751 = arith.constant 0 : i32
      %get3A_752 = tpu.memref_slice %arg13[%get3A_750, %get3A_751] : memref<768x128xf32, #tpu.memory_space<vmem>> -> memref<128x128xf32, #tpu.memory_space<vmem>>
      %get3A_753 = arith.index_cast %scan3A_612 : i32 to index
      %get3A_754 = arith.constant 96 : index
      %get3A_755 = tpu.vector_load %get3A_752[%get3A_753, %get3A_754] {strides = array<i32>} : memref<128x128xf32, #tpu.memory_space<vmem>>, vector<1x16xf32>,
      %get3A_756 = vector.shape_cast %get3A_755 : vector<1x16xf32> to vector<16xf32>
      %get3A_757 = arith.constant 128 : i32
      %get3A_758 = arith.constant 0 : i32
      %get3A_759 = tpu.memref_slice %arg13[%get3A_757, %get3A_758] : memref<768x128xf32, #tpu.memory_space<vmem>> -> memref<128x128xf32, #tpu.memory_space<vmem>>
      %get3A_760 = arith.index_cast %scan3A_612 : i32 to index
      %get3A_761 = arith.constant 96 : index
      %get3A_762 = tpu.vector_load %get3A_759[%get3A_760, %get3A_761] {strides = array<i32>} : memref<128x128xf32, #tpu.memory_space<vmem>>, vector<1x16xf32>,
      %get3A_763 = vector.shape_cast %get3A_762 : vector<1x16xf32> to vector<16xf32>
      %mul3A_764 = arith.mulf %get3A_756, %get3A_763 : vector<16xf32>
      %swap3A_765 = arith.constant 0 : i32
      %swap3A_766 = arith.constant 0 : i32
      %swap3A_767 = tpu.memref_slice %arg13[%swap3A_765, %swap3A_766] : memref<768x128xf32, #tpu.memory_space<vmem>> -> memref<128x128xf32, #tpu.memory_space<vmem>>
      %swap3A_768 = arith.index_cast %scan3A_612 : i32 to index
      %swap3A_769 = arith.constant 96 : index
      %swap3A_770 = tpu.vector_load %swap3A_767[%swap3A_768, %swap3A_769] {strides = array<i32>} : memref<128x128xf32, #tpu.memory_space<vmem>>, vector<1x16xf32>,
      %swap3A_771 = vector.shape_cast %swap3A_770 : vector<1x16xf32> to vector<16xf32>
      %swap3A_772 = vector.shape_cast %mul3A_764 : vector<16xf32> to vector<1x16xf32>
      tpu.vector_store %swap3A_767[%swap3A_768, %swap3A_769], %swap3A_772 {strides = array<i32>} : memref<128x128xf32, #tpu.memory_space<vmem>>, vector<1x16xf32>,
      %get3A_773 = arith.constant 0 : i32
      %get3A_774 = arith.constant 0 : i32
      %get3A_775 = tpu.memref_slice %arg13[%get3A_773, %get3A_774] : memref<768x128xf32, #tpu.memory_space<vmem>> -> memref<128x128xf32, #tpu.memory_space<vmem>>
      %get3A_776 = arith.index_cast %scan3A_612 : i32 to index
      %get3A_777 = arith.constant 112 : index
      %get3A_778 = tpu.vector_load %get3A_775[%get3A_776, %get3A_777] {strides = array<i32>} : memref<128x128xf32, #tpu.memory_space<vmem>>, vector<1x16xf32>,
      %get3A_779 = vector.shape_cast %get3A_778 : vector<1x16xf32> to vector<16xf32>
      %get3A_780 = arith.constant 128 : i32
      %get3A_781 = arith.constant 0 : i32
      %get3A_782 = tpu.memref_slice %arg13[%get3A_780, %get3A_781] : memref<768x128xf32, #tpu.memory_space<vmem>> -> memref<128x128xf32, #tpu.memory_space<vmem>>
      %get3A_783 = arith.index_cast %scan3A_612 : i32 to index
      %get3A_784 = arith.constant 112 : index
      %get3A_785 = tpu.vector_load %get3A_782[%get3A_783, %get3A_784] {strides = array<i32>} : memref<128x128xf32, #tpu.memory_space<vmem>>, vector<1x16xf32>,
      %get3A_786 = vector.shape_cast %get3A_785 : vector<1x16xf32> to vector<16xf32>
      %mul3A_787 = arith.mulf %get3A_779, %get3A_786 : vector<16xf32>
      %swap3A_788 = arith.constant 0 : i32
      %swap3A_789 = arith.constant 0 : i32
      %swap3A_790 = tpu.memref_slice %arg13[%swap3A_788, %swap3A_789] : memref<768x128xf32, #tpu.memory_space<vmem>> -> memref<128x128xf32, #tpu.memory_space<vmem>>
      %swap3A_791 = arith.index_cast %scan3A_612 : i32 to index
      %swap3A_792 = arith.constant 112 : index
      %swap3A_793 = tpu.vector_load %swap3A_790[%swap3A_791, %swap3A_792] {strides = array<i32>} : memref<128x128xf32, #tpu.memory_space<vmem>>, vector<1x16xf32>,
      %swap3A_794 = vector.shape_cast %swap3A_793 : vector<1x16xf32> to vector<16xf32>
      %swap3A_795 = vector.shape_cast %mul3A_787 : vector<16xf32> to vector<1x16xf32>
      tpu.vector_store %swap3A_790[%swap3A_791, %swap3A_792], %swap3A_795 {strides = array<i32>} : memref<128x128xf32, #tpu.memory_space<vmem>>, vector<1x16xf32>,
      %scan3A_796 = arith.constant 0 : i32
      scf.yield %scan3A_796 : i32
    }
    %scan3A_122 = arith.constant 128 : i32
    %add3A_123 = arith.constant 0 : i32
    %add3A_124 = arith.addi %mul3A_2, %add3A_123 : i32
    %dma_start3A_125 = arith.constant 0 : i32
    %dma_start3A_126 = arith.constant 0 : i32
    %dma_start3A_127 = tpu.memref_slice %arg13[%dma_start3A_125, %dma_start3A_126] : memref<768x128xf32, #tpu.memory_space<vmem>> -> memref<128x128xf32, #tpu.memory_space<vmem>>
    %dma_start3A_128 = arith.constant 0 : i32
    %dma_start3A_129 = tpu.memref_slice %arg10[%add3A_124, %dma_start3A_128] : memref<16384x128xf32, #tpu.memory_space<hbm>> -> memref<128x128xf32, #tpu.memory_space<hbm>>
    %dma_start3A_130 = arith.constant 0 : i32
    %dma_start3A_131 = tpu.memref_slice %arg10[%add3A_124, %dma_start3A_130] : memref<16384x128xf32, #tpu.memory_space<hbm>> -> memref<128x128xf32, #tpu.memory_space<hbm>>
    %dma_start3A_132 = arith.constant 0 : i32
    %dma_start3A_133 = arith.constant 0 : i32
    %dma_start3A_134 = tpu.memref_slice %arg13[%dma_start3A_132, %dma_start3A_133] : memref<768x128xf32, #tpu.memory_space<vmem>> -> memref<128x128xf32, #tpu.memory_space<vmem>>
    tpu.enqueue_dma source(%dma_start3A_134 : memref<128x128xf32, #tpu.memory_space<vmem>>) target(%dma_start3A_131 : memref<128x128xf32, #tpu.memory_space<hbm>>) target_semaphore(%arg17 : memref<!tpu.dma_semaphore, #tpu.memory_space<semaphore_mem>>)
    %dma_wait3A_135 = arith.constant 512 : i32
    %dma_wait3A_136 = arith.constant 0 : i32
    %dma_wait3A_137 = tpu.memref_slice %arg13[%dma_wait3A_135, %dma_wait3A_136] : memref<768x128xf32, #tpu.memory_space<vmem>> -> memref<128x128xf32, #tpu.memory_space<vmem>>
    %dma_wait3A_138 = arith.constant 0 : i32
    %dma_wait3A_139 = tpu.memref_slice %arg8[%add3A_4, %dma_wait3A_138] : memref<16384x128xf32, #tpu.memory_space<hbm>> -> memref<128x128xf32, #tpu.memory_space<hbm>>
    %dma_wait3A_140 = arith.constant 0 : i32
    %dma_wait3A_141 = tpu.memref_slice %arg8[%add3A_4, %dma_wait3A_140] : memref<16384x128xf32, #tpu.memory_space<hbm>> -> memref<128x128xf32, #tpu.memory_space<hbm>>
    %dma_wait3A_142 = arith.constant 512 : i32
    %dma_wait3A_143 = arith.constant 0 : i32
    %dma_wait3A_144 = tpu.memref_slice %arg13[%dma_wait3A_142, %dma_wait3A_143] : memref<768x128xf32, #tpu.memory_space<vmem>> -> memref<128x128xf32, #tpu.memory_space<vmem>>
    tpu.wait_dma2 semaphore(%arg16 : memref<!tpu.dma_semaphore, #tpu.memory_space<semaphore_mem>>) src(%dma_wait3A_144 : memref<128x128xf32, #tpu.memory_space<vmem>>) dst(%dma_wait3A_141 : memref<128x128xf32, #tpu.memory_space<hbm>>)
    %dma_start3A_145 = arith.constant 2 : i32
    %dma_start3A_146 = arith.constant 512 : i32
    %dma_start3A_147 = arith.constant 0 : i32
    %dma_start3A_148 = tpu.memref_slice %arg13[%dma_start3A_146, %dma_start3A_147] : memref<768x128xf32, #tpu.memory_space<vmem>> -> memref<128x128xf32, #tpu.memory_space<vmem>>
    %dma_start3A_149 = arith.constant 0 : i32
    %dma_start3A_150 = tpu.memref_slice %arg11[%dma_start3A_145, %dma_start3A_149] : memref<4x128xi32, #tpu.memory_space<vmem>> -> memref<1x128xi32, #tpu.memory_space<vmem>>
    %dma_start3A_151 = tpu.memref_squeeze %dma_start3A_150 : memref<1x128xi32, #tpu.memory_space<vmem>> -> memref<128xi32, #tpu.memory_space<vmem>>
    %dma_start3A_152 = arith.constant 0 : i32
    %dma_start3A_153 = arith.constant 0 : i32
    %dma_start3A_154 = tpu.memref_slice %arg4[%dma_start3A_152, %dma_start3A_153] : memref<100000x128xf32, #tpu.memory_space<hbm>> -> memref<100000x128xf32, #tpu.memory_space<hbm>>
    tpu.enqueue_indirect_dma source(%dma_start3A_154 : memref<100000x128xf32, #tpu.memory_space<hbm>>) target(%dma_start3A_148 : memref<128x128xf32, #tpu.memory_space<vmem>>) offsets(%dma_start3A_151 : memref<128xi32, #tpu.memory_space<vmem>>) semaphore(%arg14 : memref<!tpu.dma_semaphore, #tpu.memory_space<semaphore_mem>>)
    %dma_wait3A_155 = arith.constant 1 : i32
    %dma_wait3A_156 = arith.constant 640 : i32
    %dma_wait3A_157 = arith.constant 0 : i32
    %dma_wait3A_158 = tpu.memref_slice %arg13[%dma_wait3A_156, %dma_wait3A_157] : memref<768x128xf32, #tpu.memory_space<vmem>> -> memref<128x128xf32, #tpu.memory_space<vmem>>
    %dma_wait3A_159 = arith.constant 0 : i32
    %dma_wait3A_160 = tpu.memref_slice %arg11[%dma_wait3A_155, %dma_wait3A_159] : memref<4x128xi32, #tpu.memory_space<vmem>> -> memref<1x128xi32, #tpu.memory_space<vmem>>
    %dma_wait3A_161 = tpu.memref_squeeze %dma_wait3A_160 : memref<1x128xi32, #tpu.memory_space<vmem>> -> memref<128xi32, #tpu.memory_space<vmem>>
    %dma_wait3A_162 = arith.constant 0 : i32
    %dma_wait3A_163 = arith.constant 0 : i32
    %dma_wait3A_164 = tpu.memref_slice %arg4[%dma_wait3A_162, %dma_wait3A_163] : memref<100000x128xf32, #tpu.memory_space<hbm>> -> memref<100000x128xf32, #tpu.memory_space<hbm>>
    tpu.wait_indirect_dma semaphore(%arg14 : memref<!tpu.dma_semaphore, #tpu.memory_space<semaphore_mem>>) src(%dma_wait3A_164 : memref<100000x128xf32, #tpu.memory_space<hbm>>) dst(%dma_wait3A_158 : memref<128x128xf32, #tpu.memory_space<vmem>>)
    %dma_start3A_165 = arith.constant 640 : i32
    %dma_start3A_166 = arith.constant 0 : i32
    %dma_start3A_167 = tpu.memref_slice %arg13[%dma_start3A_165, %dma_start3A_166] : memref<768x128xf32, #tpu.memory_space<vmem>> -> memref<128x128xf32, #tpu.memory_space<vmem>>
    %dma_start3A_168 = arith.constant 0 : i32
    %dma_start3A_169 = tpu.memref_slice %arg8[%add3A_6, %dma_start3A_168] : memref<16384x128xf32, #tpu.memory_space<hbm>> -> memref<128x128xf32, #tpu.memory_space<hbm>>
    %dma_start3A_170 = arith.constant 0 : i32
    %dma_start3A_171 = tpu.memref_slice %arg8[%add3A_6, %dma_start3A_170] : memref<16384x128xf32, #tpu.memory_space<hbm>> -> memref<128x128xf32, #tpu.memory_space<hbm>>
    %dma_start3A_172 = arith.constant 640 : i32
    %dma_start3A_173 = arith.constant 0 : i32
    %dma_start3A_174 = tpu.memref_slice %arg13[%dma_start3A_172, %dma_start3A_173] : memref<768x128xf32, #tpu.memory_space<vmem>> -> memref<128x128xf32, #tpu.memory_space<vmem>>
    tpu.enqueue_dma source(%dma_start3A_174 : memref<128x128xf32, #tpu.memory_space<vmem>>) target(%dma_start3A_171 : memref<128x128xf32, #tpu.memory_space<hbm>>) target_semaphore(%arg16 : memref<!tpu.dma_semaphore, #tpu.memory_space<semaphore_mem>>)
    %dma_wait3A_175 = arith.constant 0 : i32
    %dma_wait3A_176 = arith.constant 0 : i32
    %dma_wait3A_177 = tpu.memref_slice %arg13[%dma_wait3A_175, %dma_wait3A_176] : memref<768x128xf32, #tpu.memory_space<vmem>> -> memref<128x128xf32, #tpu.memory_space<vmem>>
    %dma_wait3A_178 = arith.constant 0 : i32
    %dma_wait3A_179 = tpu.memref_slice %arg10[%add3A_124, %dma_wait3A_178] : memref<16384x128xf32, #tpu.memory_space<hbm>> -> memref<128x128xf32, #tpu.memory_space<hbm>>
    %dma_wait3A_180 = arith.constant 0 : i32
    %dma_wait3A_181 = tpu.memref_slice %arg10[%add3A_124, %dma_wait3A_180] : memref<16384x128xf32, #tpu.memory_space<hbm>> -> memref<128x128xf32, #tpu.memory_space<hbm>>
    %dma_wait3A_182 = arith.constant 0 : i32
    %dma_wait3A_183 = arith.constant 0 : i32
    %dma_wait3A_184 = tpu.memref_slice %arg13[%dma_wait3A_182, %dma_wait3A_183] : memref<768x128xf32, #tpu.memory_space<vmem>> -> memref<128x128xf32, #tpu.memory_space<vmem>>
    tpu.wait_dma2 semaphore(%arg17 : memref<!tpu.dma_semaphore, #tpu.memory_space<semaphore_mem>>) src(%dma_wait3A_184 : memref<128x128xf32, #tpu.memory_space<vmem>>) dst(%dma_wait3A_181 : memref<128x128xf32, #tpu.memory_space<hbm>>)
    %dma_start3A_185 = arith.constant 2 : i32
    %dma_start3A_186 = arith.constant 0 : i32
    %dma_start3A_187 = arith.constant 0 : i32
    %dma_start3A_188 = tpu.memref_slice %arg13[%dma_start3A_186, %dma_start3A_187] : memref<768x128xf32, #tpu.memory_space<vmem>> -> memref<128x128xf32, #tpu.memory_space<vmem>>
    %dma_start3A_189 = arith.constant 0 : i32
    %dma_start3A_190 = tpu.memref_slice %arg11[%dma_start3A_185, %dma_start3A_189] : memref<4x128xi32, #tpu.memory_space<vmem>> -> memref<1x128xi32, #tpu.memory_space<vmem>>
    %dma_start3A_191 = tpu.memref_squeeze %dma_start3A_190 : memref<1x128xi32, #tpu.memory_space<vmem>> -> memref<128xi32, #tpu.memory_space<vmem>>
    %dma_start3A_192 = arith.constant 0 : i32
    %dma_start3A_193 = arith.constant 0 : i32
    %dma_start3A_194 = tpu.memref_slice %arg6[%dma_start3A_192, %dma_start3A_193] : memref<100000x128xf32, #tpu.memory_space<hbm>> -> memref<100000x128xf32, #tpu.memory_space<hbm>>
    tpu.enqueue_indirect_dma source(%dma_start3A_194 : memref<100000x128xf32, #tpu.memory_space<hbm>>) target(%dma_start3A_188 : memref<128x128xf32, #tpu.memory_space<vmem>>) offsets(%dma_start3A_191 : memref<128xi32, #tpu.memory_space<vmem>>) semaphore(%arg15 : memref<!tpu.dma_semaphore, #tpu.memory_space<semaphore_mem>>)
    %dma_start3A_195 = arith.constant 2 : i32
    %dma_start3A_196 = arith.constant 128 : i32
    %dma_start3A_197 = arith.constant 0 : i32
    %dma_start3A_198 = tpu.memref_slice %arg13[%dma_start3A_196, %dma_start3A_197] : memref<768x128xf32, #tpu.memory_space<vmem>> -> memref<128x128xf32, #tpu.memory_space<vmem>>
    %dma_start3A_199 = arith.constant 0 : i32
    %dma_start3A_200 = tpu.memref_slice %arg12[%dma_start3A_195, %dma_start3A_199] : memref<4x128xi32, #tpu.memory_space<vmem>> -> memref<1x128xi32, #tpu.memory_space<vmem>>
    %dma_start3A_201 = tpu.memref_squeeze %dma_start3A_200 : memref<1x128xi32, #tpu.memory_space<vmem>> -> memref<128xi32, #tpu.memory_space<vmem>>
    %dma_start3A_202 = arith.constant 0 : i32
    %dma_start3A_203 = arith.constant 0 : i32
    %dma_start3A_204 = tpu.memref_slice %arg7[%dma_start3A_202, %dma_start3A_203] : memref<100000x128xf32, #tpu.memory_space<hbm>> -> memref<100000x128xf32, #tpu.memory_space<hbm>>
    tpu.enqueue_indirect_dma source(%dma_start3A_204 : memref<100000x128xf32, #tpu.memory_space<hbm>>) target(%dma_start3A_198 : memref<128x128xf32, #tpu.memory_space<vmem>>) offsets(%dma_start3A_201 : memref<128xi32, #tpu.memory_space<vmem>>) semaphore(%arg15 : memref<!tpu.dma_semaphore, #tpu.memory_space<semaphore_mem>>)
    %dma_wait3A_205 = arith.constant 640 : i32
    %dma_wait3A_206 = arith.constant 0 : i32
    %dma_wait3A_207 = tpu.memref_slice %arg13[%dma_wait3A_205, %dma_wait3A_206] : memref<768x128xf32, #tpu.memory_space<vmem>> -> memref<128x128xf32, #tpu.memory_space<vmem>>
    %dma_wait3A_208 = arith.constant 0 : i32
    %dma_wait3A_209 = tpu.memref_slice %arg8[%add3A_6, %dma_wait3A_208] : memref<16384x128xf32, #tpu.memory_space<hbm>> -> memref<128x128xf32, #tpu.memory_space<hbm>>
    %dma_wait3A_210 = arith.constant 0 : i32
    %dma_wait3A_211 = tpu.memref_slice %arg8[%add3A_6, %dma_wait3A_210] : memref<16384x128xf32, #tpu.memory_space<hbm>> -> memref<128x128xf32, #tpu.memory_space<hbm>>
    %dma_wait3A_212 = arith.constant 640 : i32
    %dma_wait3A_213 = arith.constant 0 : i32
    %dma_wait3A_214 = tpu.memref_slice %arg13[%dma_wait3A_212, %dma_wait3A_213] : memref<768x128xf32, #tpu.memory_space<vmem>> -> memref<128x128xf32, #tpu.memory_space<vmem>>
    tpu.wait_dma2 semaphore(%arg16 : memref<!tpu.dma_semaphore, #tpu.memory_space<semaphore_mem>>) src(%dma_wait3A_214 : memref<128x128xf32, #tpu.memory_space<vmem>>) dst(%dma_wait3A_211 : memref<128x128xf32, #tpu.memory_space<hbm>>)
    %dma_start3A_215 = arith.constant 3 : i32
    %dma_start3A_216 = arith.constant 640 : i32
    %dma_start3A_217 = arith.constant 0 : i32
    %dma_start3A_218 = tpu.memref_slice %arg13[%dma_start3A_216, %dma_start3A_217] : memref<768x128xf32, #tpu.memory_space<vmem>> -> memref<128x128xf32, #tpu.memory_space<vmem>>
    %dma_start3A_219 = arith.constant 0 : i32
    %dma_start3A_220 = tpu.memref_slice %arg11[%dma_start3A_215, %dma_start3A_219] : memref<4x128xi32, #tpu.memory_space<vmem>> -> memref<1x128xi32, #tpu.memory_space<vmem>>
    %dma_start3A_221 = tpu.memref_squeeze %dma_start3A_220 : memref<1x128xi32, #tpu.memory_space<vmem>> -> memref<128xi32, #tpu.memory_space<vmem>>
    %dma_start3A_222 = arith.constant 0 : i32
    %dma_start3A_223 = arith.constant 0 : i32
    %dma_start3A_224 = tpu.memref_slice %arg4[%dma_start3A_222, %dma_start3A_223] : memref<100000x128xf32, #tpu.memory_space<hbm>> -> memref<100000x128xf32, #tpu.memory_space<hbm>>
    tpu.enqueue_indirect_dma source(%dma_start3A_224 : memref<100000x128xf32, #tpu.memory_space<hbm>>) target(%dma_start3A_218 : memref<128x128xf32, #tpu.memory_space<vmem>>) offsets(%dma_start3A_221 : memref<128xi32, #tpu.memory_space<vmem>>) semaphore(%arg14 : memref<!tpu.dma_semaphore, #tpu.memory_space<semaphore_mem>>)
    %dma_wait3A_225 = arith.constant 2 : i32
    %dma_wait3A_226 = arith.constant 512 : i32
    %dma_wait3A_227 = arith.constant 0 : i32
    %dma_wait3A_228 = tpu.memref_slice %arg13[%dma_wait3A_226, %dma_wait3A_227] : memref<768x128xf32, #tpu.memory_space<vmem>> -> memref<128x128xf32, #tpu.memory_space<vmem>>
    %dma_wait3A_229 = arith.constant 0 : i32
    %dma_wait3A_230 = tpu.memref_slice %arg11[%dma_wait3A_225, %dma_wait3A_229] : memref<4x128xi32, #tpu.memory_space<vmem>> -> memref<1x128xi32, #tpu.memory_space<vmem>>
    %dma_wait3A_231 = tpu.memref_squeeze %dma_wait3A_230 : memref<1x128xi32, #tpu.memory_space<vmem>> -> memref<128xi32, #tpu.memory_space<vmem>>
    %dma_wait3A_232 = arith.constant 0 : i32
    %dma_wait3A_233 = arith.constant 0 : i32
    %dma_wait3A_234 = tpu.memref_slice %arg4[%dma_wait3A_232, %dma_wait3A_233] : memref<100000x128xf32, #tpu.memory_space<hbm>> -> memref<100000x128xf32, #tpu.memory_space<hbm>>
    tpu.wait_indirect_dma semaphore(%arg14 : memref<!tpu.dma_semaphore, #tpu.memory_space<semaphore_mem>>) src(%dma_wait3A_234 : memref<100000x128xf32, #tpu.memory_space<hbm>>) dst(%dma_wait3A_228 : memref<128x128xf32, #tpu.memory_space<vmem>>)
    %dma_start3A_235 = arith.constant 512 : i32
    %dma_start3A_236 = arith.constant 0 : i32
    %dma_start3A_237 = tpu.memref_slice %arg13[%dma_start3A_235, %dma_start3A_236] : memref<768x128xf32, #tpu.memory_space<vmem>> -> memref<128x128xf32, #tpu.memory_space<vmem>>
    %dma_start3A_238 = arith.constant 0 : i32
    %dma_start3A_239 = tpu.memref_slice %arg8[%add3A_8, %dma_start3A_238] : memref<16384x128xf32, #tpu.memory_space<hbm>> -> memref<128x128xf32, #tpu.memory_space<hbm>>
    %dma_start3A_240 = arith.constant 0 : i32
    %dma_start3A_241 = tpu.memref_slice %arg8[%add3A_8, %dma_start3A_240] : memref<16384x128xf32, #tpu.memory_space<hbm>> -> memref<128x128xf32, #tpu.memory_space<hbm>>
    %dma_start3A_242 = arith.constant 512 : i32
    %dma_start3A_243 = arith.constant 0 : i32
    %dma_start3A_244 = tpu.memref_slice %arg13[%dma_start3A_242, %dma_start3A_243] : memref<768x128xf32, #tpu.memory_space<vmem>> -> memref<128x128xf32, #tpu.memory_space<vmem>>
    tpu.enqueue_dma source(%dma_start3A_244 : memref<128x128xf32, #tpu.memory_space<vmem>>) target(%dma_start3A_241 : memref<128x128xf32, #tpu.memory_space<hbm>>) target_semaphore(%arg16 : memref<!tpu.dma_semaphore, #tpu.memory_space<semaphore_mem>>)
    %dma_wait3A_245 = arith.constant 1 : i32
    %dma_wait3A_246 = arith.constant 256 : i32
    %dma_wait3A_247 = arith.constant 0 : i32
    %dma_wait3A_248 = tpu.memref_slice %arg13[%dma_wait3A_246, %dma_wait3A_247] : memref<768x128xf32, #tpu.memory_space<vmem>> -> memref<128x128xf32, #tpu.memory_space<vmem>>
    %dma_wait3A_249 = arith.constant 0 : i32
    %dma_wait3A_250 = tpu.memref_slice %arg11[%dma_wait3A_245, %dma_wait3A_249] : memref<4x128xi32, #tpu.memory_space<vmem>> -> memref<1x128xi32, #tpu.memory_space<vmem>>
    %dma_wait3A_251 = tpu.memref_squeeze %dma_wait3A_250 : memref<1x128xi32, #tpu.memory_space<vmem>> -> memref<128xi32, #tpu.memory_space<vmem>>
    %dma_wait3A_252 = arith.constant 0 : i32
    %dma_wait3A_253 = arith.constant 0 : i32
    %dma_wait3A_254 = tpu.memref_slice %arg6[%dma_wait3A_252, %dma_wait3A_253] : memref<100000x128xf32, #tpu.memory_space<hbm>> -> memref<100000x128xf32, #tpu.memory_space<hbm>>
    tpu.wait_indirect_dma semaphore(%arg15 : memref<!tpu.dma_semaphore, #tpu.memory_space<semaphore_mem>>) src(%dma_wait3A_254 : memref<100000x128xf32, #tpu.memory_space<hbm>>) dst(%dma_wait3A_248 : memref<128x128xf32, #tpu.memory_space<vmem>>)
    %dma_wait3A_255 = arith.constant 1 : i32
    %dma_wait3A_256 = arith.constant 384 : i32
    %dma_wait3A_257 = arith.constant 0 : i32
    %dma_wait3A_258 = tpu.memref_slice %arg13[%dma_wait3A_256, %dma_wait3A_257] : memref<768x128xf32, #tpu.memory_space<vmem>> -> memref<128x128xf32, #tpu.memory_space<vmem>>
    %dma_wait3A_259 = arith.constant 0 : i32
    %dma_wait3A_260 = tpu.memref_slice %arg12[%dma_wait3A_255, %dma_wait3A_259] : memref<4x128xi32, #tpu.memory_space<vmem>> -> memref<1x128xi32, #tpu.memory_space<vmem>>
    %dma_wait3A_261 = tpu.memref_squeeze %dma_wait3A_260 : memref<1x128xi32, #tpu.memory_space<vmem>> -> memref<128xi32, #tpu.memory_space<vmem>>
    %dma_wait3A_262 = arith.constant 0 : i32
    %dma_wait3A_263 = arith.constant 0 : i32
    %dma_wait3A_264 = tpu.memref_slice %arg7[%dma_wait3A_262, %dma_wait3A_263] : memref<100000x128xf32, #tpu.memory_space<hbm>> -> memref<100000x128xf32, #tpu.memory_space<hbm>>
    tpu.wait_indirect_dma semaphore(%arg15 : memref<!tpu.dma_semaphore, #tpu.memory_space<semaphore_mem>>) src(%dma_wait3A_264 : memref<100000x128xf32, #tpu.memory_space<hbm>>) dst(%dma_wait3A_258 : memref<128x128xf32, #tpu.memory_space<vmem>>)
    %scan3A_265 = arith.constant 0 : i32
    %scan3A_266 = arith.constant 0 : i32
    %scan3A_267 = arith.constant 128 : i32
    %scan3A_268 = arith.addi %scan3A_266, %scan3A_267 : i32
    %scan3A_269 = arith.constant 1 : i32
    %scan3A_270 = scf.for %scan3A_612 = %scan3A_266 to %scan3A_268 step %scan3A_269 iter_args(%scan3A_613 = %scan3A_265) -> (i32)  : i32 {
      %get3A = arith.constant 256 : i32
      %get3A_614 = arith.constant 0 : i32
      %get3A_615 = tpu.memref_slice %arg13[%get3A, %get3A_614] : memref<768x128xf32, #tpu.memory_space<vmem>> -> memref<128x128xf32, #tpu.memory_space<vmem>>
      %get3A_616 = arith.index_cast %scan3A_612 : i32 to index
      %get3A_617 = arith.constant 0 : index
      %get3A_618 = tpu.vector_load %get3A_615[%get3A_616, %get3A_617] {strides = array<i32>} : memref<128x128xf32, #tpu.memory_space<vmem>>, vector<1x16xf32>,
      %get3A_619 = vector.shape_cast %get3A_618 : vector<1x16xf32> to vector<16xf32>
      %get3A_620 = arith.constant 384 : i32
      %get3A_621 = arith.constant 0 : i32
      %get3A_622 = tpu.memref_slice %arg13[%get3A_620, %get3A_621] : memref<768x128xf32, #tpu.memory_space<vmem>> -> memref<128x128xf32, #tpu.memory_space<vmem>>
      %get3A_623 = arith.index_cast %scan3A_612 : i32 to index
      %get3A_624 = arith.constant 0 : index
      %get3A_625 = tpu.vector_load %get3A_622[%get3A_623, %get3A_624] {strides = array<i32>} : memref<128x128xf32, #tpu.memory_space<vmem>>, vector<1x16xf32>,
      %get3A_626 = vector.shape_cast %get3A_625 : vector<1x16xf32> to vector<16xf32>
      %mul3A_627 = arith.mulf %get3A_619, %get3A_626 : vector<16xf32>
      %swap3A = arith.constant 256 : i32
      %swap3A_628 = arith.constant 0 : i32
      %swap3A_629 = tpu.memref_slice %arg13[%swap3A, %swap3A_628] : memref<768x128xf32, #tpu.memory_space<vmem>> -> memref<128x128xf32, #tpu.memory_space<vmem>>
      %swap3A_630 = arith.index_cast %scan3A_612 : i32 to index
      %swap3A_631 = arith.constant 0 : index
      %swap3A_632 = tpu.vector_load %swap3A_629[%swap3A_630, %swap3A_631] {strides = array<i32>} : memref<128x128xf32, #tpu.memory_space<vmem>>, vector<1x16xf32>,
      %swap3A_633 = vector.shape_cast %swap3A_632 : vector<1x16xf32> to vector<16xf32>
      %swap3A_634 = vector.shape_cast %mul3A_627 : vector<16xf32> to vector<1x16xf32>
      tpu.vector_store %swap3A_629[%swap3A_630, %swap3A_631], %swap3A_634 {strides = array<i32>} : memref<128x128xf32, #tpu.memory_space<vmem>>, vector<1x16xf32>,
      %get3A_635 = arith.constant 256 : i32
      %get3A_636 = arith.constant 0 : i32
      %get3A_637 = tpu.memref_slice %arg13[%get3A_635, %get3A_636] : memref<768x128xf32, #tpu.memory_space<vmem>> -> memref<128x128xf32, #tpu.memory_space<vmem>>
      %get3A_638 = arith.index_cast %scan3A_612 : i32 to index
      %get3A_639 = arith.constant 16 : index
      %get3A_640 = tpu.vector_load %get3A_637[%get3A_638, %get3A_639] {strides = array<i32>} : memref<128x128xf32, #tpu.memory_space<vmem>>, vector<1x16xf32>,
      %get3A_641 = vector.shape_cast %get3A_640 : vector<1x16xf32> to vector<16xf32>
      %get3A_642 = arith.constant 384 : i32
      %get3A_643 = arith.constant 0 : i32
      %get3A_644 = tpu.memref_slice %arg13[%get3A_642, %get3A_643] : memref<768x128xf32, #tpu.memory_space<vmem>> -> memref<128x128xf32, #tpu.memory_space<vmem>>
      %get3A_645 = arith.index_cast %scan3A_612 : i32 to index
      %get3A_646 = arith.constant 16 : index
      %get3A_647 = tpu.vector_load %get3A_644[%get3A_645, %get3A_646] {strides = array<i32>} : memref<128x128xf32, #tpu.memory_space<vmem>>, vector<1x16xf32>,
      %get3A_648 = vector.shape_cast %get3A_647 : vector<1x16xf32> to vector<16xf32>
      %mul3A_649 = arith.mulf %get3A_641, %get3A_648 : vector<16xf32>
      %swap3A_650 = arith.constant 256 : i32
      %swap3A_651 = arith.constant 0 : i32
      %swap3A_652 = tpu.memref_slice %arg13[%swap3A_650, %swap3A_651] : memref<768x128xf32, #tpu.memory_space<vmem>> -> memref<128x128xf32, #tpu.memory_space<vmem>>
      %swap3A_653 = arith.index_cast %scan3A_612 : i32 to index
      %swap3A_654 = arith.constant 16 : index
      %swap3A_655 = tpu.vector_load %swap3A_652[%swap3A_653, %swap3A_654] {strides = array<i32>} : memref<128x128xf32, #tpu.memory_space<vmem>>, vector<1x16xf32>,
      %swap3A_656 = vector.shape_cast %swap3A_655 : vector<1x16xf32> to vector<16xf32>
      %swap3A_657 = vector.shape_cast %mul3A_649 : vector<16xf32> to vector<1x16xf32>
      tpu.vector_store %swap3A_652[%swap3A_653, %swap3A_654], %swap3A_657 {strides = array<i32>} : memref<128x128xf32, #tpu.memory_space<vmem>>, vector<1x16xf32>,
      %get3A_658 = arith.constant 256 : i32
      %get3A_659 = arith.constant 0 : i32
      %get3A_660 = tpu.memref_slice %arg13[%get3A_658, %get3A_659] : memref<768x128xf32, #tpu.memory_space<vmem>> -> memref<128x128xf32, #tpu.memory_space<vmem>>
      %get3A_661 = arith.index_cast %scan3A_612 : i32 to index
      %get3A_662 = arith.constant 32 : index
      %get3A_663 = tpu.vector_load %get3A_660[%get3A_661, %get3A_662] {strides = array<i32>} : memref<128x128xf32, #tpu.memory_space<vmem>>, vector<1x16xf32>,
      %get3A_664 = vector.shape_cast %get3A_663 : vector<1x16xf32> to vector<16xf32>
      %get3A_665 = arith.constant 384 : i32
      %get3A_666 = arith.constant 0 : i32
      %get3A_667 = tpu.memref_slice %arg13[%get3A_665, %get3A_666] : memref<768x128xf32, #tpu.memory_space<vmem>> -> memref<128x128xf32, #tpu.memory_space<vmem>>
      %get3A_668 = arith.index_cast %scan3A_612 : i32 to index
      %get3A_669 = arith.constant 32 : index
      %get3A_670 = tpu.vector_load %get3A_667[%get3A_668, %get3A_669] {strides = array<i32>} : memref<128x128xf32, #tpu.memory_space<vmem>>, vector<1x16xf32>,
      %get3A_671 = vector.shape_cast %get3A_670 : vector<1x16xf32> to vector<16xf32>
      %mul3A_672 = arith.mulf %get3A_664, %get3A_671 : vector<16xf32>
      %swap3A_673 = arith.constant 256 : i32
      %swap3A_674 = arith.constant 0 : i32
      %swap3A_675 = tpu.memref_slice %arg13[%swap3A_673, %swap3A_674] : memref<768x128xf32, #tpu.memory_space<vmem>> -> memref<128x128xf32, #tpu.memory_space<vmem>>
      %swap3A_676 = arith.index_cast %scan3A_612 : i32 to index
      %swap3A_677 = arith.constant 32 : index
      %swap3A_678 = tpu.vector_load %swap3A_675[%swap3A_676, %swap3A_677] {strides = array<i32>} : memref<128x128xf32, #tpu.memory_space<vmem>>, vector<1x16xf32>,
      %swap3A_679 = vector.shape_cast %swap3A_678 : vector<1x16xf32> to vector<16xf32>
      %swap3A_680 = vector.shape_cast %mul3A_672 : vector<16xf32> to vector<1x16xf32>
      tpu.vector_store %swap3A_675[%swap3A_676, %swap3A_677], %swap3A_680 {strides = array<i32>} : memref<128x128xf32, #tpu.memory_space<vmem>>, vector<1x16xf32>,
      %get3A_681 = arith.constant 256 : i32
      %get3A_682 = arith.constant 0 : i32
      %get3A_683 = tpu.memref_slice %arg13[%get3A_681, %get3A_682] : memref<768x128xf32, #tpu.memory_space<vmem>> -> memref<128x128xf32, #tpu.memory_space<vmem>>
      %get3A_684 = arith.index_cast %scan3A_612 : i32 to index
      %get3A_685 = arith.constant 48 : index
      %get3A_686 = tpu.vector_load %get3A_683[%get3A_684, %get3A_685] {strides = array<i32>} : memref<128x128xf32, #tpu.memory_space<vmem>>, vector<1x16xf32>,
      %get3A_687 = vector.shape_cast %get3A_686 : vector<1x16xf32> to vector<16xf32>
      %get3A_688 = arith.constant 384 : i32
      %get3A_689 = arith.constant 0 : i32
      %get3A_690 = tpu.memref_slice %arg13[%get3A_688, %get3A_689] : memref<768x128xf32, #tpu.memory_space<vmem>> -> memref<128x128xf32, #tpu.memory_space<vmem>>
      %get3A_691 = arith.index_cast %scan3A_612 : i32 to index
      %get3A_692 = arith.constant 48 : index
      %get3A_693 = tpu.vector_load %get3A_690[%get3A_691, %get3A_692] {strides = array<i32>} : memref<128x128xf32, #tpu.memory_space<vmem>>, vector<1x16xf32>,
      %get3A_694 = vector.shape_cast %get3A_693 : vector<1x16xf32> to vector<16xf32>
      %mul3A_695 = arith.mulf %get3A_687, %get3A_694 : vector<16xf32>
      %swap3A_696 = arith.constant 256 : i32
      %swap3A_697 = arith.constant 0 : i32
      %swap3A_698 = tpu.memref_slice %arg13[%swap3A_696, %swap3A_697] : memref<768x128xf32, #tpu.memory_space<vmem>> -> memref<128x128xf32, #tpu.memory_space<vmem>>
      %swap3A_699 = arith.index_cast %scan3A_612 : i32 to index
      %swap3A_700 = arith.constant 48 : index
      %swap3A_701 = tpu.vector_load %swap3A_698[%swap3A_699, %swap3A_700] {strides = array<i32>} : memref<128x128xf32, #tpu.memory_space<vmem>>, vector<1x16xf32>,
      %swap3A_702 = vector.shape_cast %swap3A_701 : vector<1x16xf32> to vector<16xf32>
      %swap3A_703 = vector.shape_cast %mul3A_695 : vector<16xf32> to vector<1x16xf32>
      tpu.vector_store %swap3A_698[%swap3A_699, %swap3A_700], %swap3A_703 {strides = array<i32>} : memref<128x128xf32, #tpu.memory_space<vmem>>, vector<1x16xf32>,
      %get3A_704 = arith.constant 256 : i32
      %get3A_705 = arith.constant 0 : i32
      %get3A_706 = tpu.memref_slice %arg13[%get3A_704, %get3A_705] : memref<768x128xf32, #tpu.memory_space<vmem>> -> memref<128x128xf32, #tpu.memory_space<vmem>>
      %get3A_707 = arith.index_cast %scan3A_612 : i32 to index
      %get3A_708 = arith.constant 64 : index
      %get3A_709 = tpu.vector_load %get3A_706[%get3A_707, %get3A_708] {strides = array<i32>} : memref<128x128xf32, #tpu.memory_space<vmem>>, vector<1x16xf32>,
      %get3A_710 = vector.shape_cast %get3A_709 : vector<1x16xf32> to vector<16xf32>
      %get3A_711 = arith.constant 384 : i32
      %get3A_712 = arith.constant 0 : i32
      %get3A_713 = tpu.memref_slice %arg13[%get3A_711, %get3A_712] : memref<768x128xf32, #tpu.memory_space<vmem>> -> memref<128x128xf32, #tpu.memory_space<vmem>>
      %get3A_714 = arith.index_cast %scan3A_612 : i32 to index
      %get3A_715 = arith.constant 64 : index
      %get3A_716 = tpu.vector_load %get3A_713[%get3A_714, %get3A_715] {strides = array<i32>} : memref<128x128xf32, #tpu.memory_space<vmem>>, vector<1x16xf32>,
      %get3A_717 = vector.shape_cast %get3A_716 : vector<1x16xf32> to vector<16xf32>
      %mul3A_718 = arith.mulf %get3A_710, %get3A_717 : vector<16xf32>
      %swap3A_719 = arith.constant 256 : i32
      %swap3A_720 = arith.constant 0 : i32
      %swap3A_721 = tpu.memref_slice %arg13[%swap3A_719, %swap3A_720] : memref<768x128xf32, #tpu.memory_space<vmem>> -> memref<128x128xf32, #tpu.memory_space<vmem>>
      %swap3A_722 = arith.index_cast %scan3A_612 : i32 to index
      %swap3A_723 = arith.constant 64 : index
      %swap3A_724 = tpu.vector_load %swap3A_721[%swap3A_722, %swap3A_723] {strides = array<i32>} : memref<128x128xf32, #tpu.memory_space<vmem>>, vector<1x16xf32>,
      %swap3A_725 = vector.shape_cast %swap3A_724 : vector<1x16xf32> to vector<16xf32>
      %swap3A_726 = vector.shape_cast %mul3A_718 : vector<16xf32> to vector<1x16xf32>
      tpu.vector_store %swap3A_721[%swap3A_722, %swap3A_723], %swap3A_726 {strides = array<i32>} : memref<128x128xf32, #tpu.memory_space<vmem>>, vector<1x16xf32>,
      %get3A_727 = arith.constant 256 : i32
      %get3A_728 = arith.constant 0 : i32
      %get3A_729 = tpu.memref_slice %arg13[%get3A_727, %get3A_728] : memref<768x128xf32, #tpu.memory_space<vmem>> -> memref<128x128xf32, #tpu.memory_space<vmem>>
      %get3A_730 = arith.index_cast %scan3A_612 : i32 to index
      %get3A_731 = arith.constant 80 : index
      %get3A_732 = tpu.vector_load %get3A_729[%get3A_730, %get3A_731] {strides = array<i32>} : memref<128x128xf32, #tpu.memory_space<vmem>>, vector<1x16xf32>,
      %get3A_733 = vector.shape_cast %get3A_732 : vector<1x16xf32> to vector<16xf32>
      %get3A_734 = arith.constant 384 : i32
      %get3A_735 = arith.constant 0 : i32
      %get3A_736 = tpu.memref_slice %arg13[%get3A_734, %get3A_735] : memref<768x128xf32, #tpu.memory_space<vmem>> -> memref<128x128xf32, #tpu.memory_space<vmem>>
      %get3A_737 = arith.index_cast %scan3A_612 : i32 to index
      %get3A_738 = arith.constant 80 : index
      %get3A_739 = tpu.vector_load %get3A_736[%get3A_737, %get3A_738] {strides = array<i32>} : memref<128x128xf32, #tpu.memory_space<vmem>>, vector<1x16xf32>,
      %get3A_740 = vector.shape_cast %get3A_739 : vector<1x16xf32> to vector<16xf32>
      %mul3A_741 = arith.mulf %get3A_733, %get3A_740 : vector<16xf32>
      %swap3A_742 = arith.constant 256 : i32
      %swap3A_743 = arith.constant 0 : i32
      %swap3A_744 = tpu.memref_slice %arg13[%swap3A_742, %swap3A_743] : memref<768x128xf32, #tpu.memory_space<vmem>> -> memref<128x128xf32, #tpu.memory_space<vmem>>
      %swap3A_745 = arith.index_cast %scan3A_612 : i32 to index
      %swap3A_746 = arith.constant 80 : index
      %swap3A_747 = tpu.vector_load %swap3A_744[%swap3A_745, %swap3A_746] {strides = array<i32>} : memref<128x128xf32, #tpu.memory_space<vmem>>, vector<1x16xf32>,
      %swap3A_748 = vector.shape_cast %swap3A_747 : vector<1x16xf32> to vector<16xf32>
      %swap3A_749 = vector.shape_cast %mul3A_741 : vector<16xf32> to vector<1x16xf32>
      tpu.vector_store %swap3A_744[%swap3A_745, %swap3A_746], %swap3A_749 {strides = array<i32>} : memref<128x128xf32, #tpu.memory_space<vmem>>, vector<1x16xf32>,
      %get3A_750 = arith.constant 256 : i32
      %get3A_751 = arith.constant 0 : i32
      %get3A_752 = tpu.memref_slice %arg13[%get3A_750, %get3A_751] : memref<768x128xf32, #tpu.memory_space<vmem>> -> memref<128x128xf32, #tpu.memory_space<vmem>>
      %get3A_753 = arith.index_cast %scan3A_612 : i32 to index
      %get3A_754 = arith.constant 96 : index
      %get3A_755 = tpu.vector_load %get3A_752[%get3A_753, %get3A_754] {strides = array<i32>} : memref<128x128xf32, #tpu.memory_space<vmem>>, vector<1x16xf32>,
      %get3A_756 = vector.shape_cast %get3A_755 : vector<1x16xf32> to vector<16xf32>
      %get3A_757 = arith.constant 384 : i32
      %get3A_758 = arith.constant 0 : i32
      %get3A_759 = tpu.memref_slice %arg13[%get3A_757, %get3A_758] : memref<768x128xf32, #tpu.memory_space<vmem>> -> memref<128x128xf32, #tpu.memory_space<vmem>>
      %get3A_760 = arith.index_cast %scan3A_612 : i32 to index
      %get3A_761 = arith.constant 96 : index
      %get3A_762 = tpu.vector_load %get3A_759[%get3A_760, %get3A_761] {strides = array<i32>} : memref<128x128xf32, #tpu.memory_space<vmem>>, vector<1x16xf32>,
      %get3A_763 = vector.shape_cast %get3A_762 : vector<1x16xf32> to vector<16xf32>
      %mul3A_764 = arith.mulf %get3A_756, %get3A_763 : vector<16xf32>
      %swap3A_765 = arith.constant 256 : i32
      %swap3A_766 = arith.constant 0 : i32
      %swap3A_767 = tpu.memref_slice %arg13[%swap3A_765, %swap3A_766] : memref<768x128xf32, #tpu.memory_space<vmem>> -> memref<128x128xf32, #tpu.memory_space<vmem>>
      %swap3A_768 = arith.index_cast %scan3A_612 : i32 to index
      %swap3A_769 = arith.constant 96 : index
      %swap3A_770 = tpu.vector_load %swap3A_767[%swap3A_768, %swap3A_769] {strides = array<i32>} : memref<128x128xf32, #tpu.memory_space<vmem>>, vector<1x16xf32>,
      %swap3A_771 = vector.shape_cast %swap3A_770 : vector<1x16xf32> to vector<16xf32>
      %swap3A_772 = vector.shape_cast %mul3A_764 : vector<16xf32> to vector<1x16xf32>
      tpu.vector_store %swap3A_767[%swap3A_768, %swap3A_769], %swap3A_772 {strides = array<i32>} : memref<128x128xf32, #tpu.memory_space<vmem>>, vector<1x16xf32>,
      %get3A_773 = arith.constant 256 : i32
      %get3A_774 = arith.constant 0 : i32
      %get3A_775 = tpu.memref_slice %arg13[%get3A_773, %get3A_774] : memref<768x128xf32, #tpu.memory_space<vmem>> -> memref<128x128xf32, #tpu.memory_space<vmem>>
      %get3A_776 = arith.index_cast %scan3A_612 : i32 to index
      %get3A_777 = arith.constant 112 : index
      %get3A_778 = tpu.vector_load %get3A_775[%get3A_776, %get3A_777] {strides = array<i32>} : memref<128x128xf32, #tpu.memory_space<vmem>>, vector<1x16xf32>,
      %get3A_779 = vector.shape_cast %get3A_778 : vector<1x16xf32> to vector<16xf32>
      %get3A_780 = arith.constant 384 : i32
      %get3A_781 = arith.constant 0 : i32
      %get3A_782 = tpu.memref_slice %arg13[%get3A_780, %get3A_781] : memref<768x128xf32, #tpu.memory_space<vmem>> -> memref<128x128xf32, #tpu.memory_space<vmem>>
      %get3A_783 = arith.index_cast %scan3A_612 : i32 to index
      %get3A_784 = arith.constant 112 : index
      %get3A_785 = tpu.vector_load %get3A_782[%get3A_783, %get3A_784] {strides = array<i32>} : memref<128x128xf32, #tpu.memory_space<vmem>>, vector<1x16xf32>,
      %get3A_786 = vector.shape_cast %get3A_785 : vector<1x16xf32> to vector<16xf32>
      %mul3A_787 = arith.mulf %get3A_779, %get3A_786 : vector<16xf32>
      %swap3A_788 = arith.constant 256 : i32
      %swap3A_789 = arith.constant 0 : i32
      %swap3A_790 = tpu.memref_slice %arg13[%swap3A_788, %swap3A_789] : memref<768x128xf32, #tpu.memory_space<vmem>> -> memref<128x128xf32, #tpu.memory_space<vmem>>
      %swap3A_791 = arith.index_cast %scan3A_612 : i32 to index
      %swap3A_792 = arith.constant 112 : index
      %swap3A_793 = tpu.vector_load %swap3A_790[%swap3A_791, %swap3A_792] {strides = array<i32>} : memref<128x128xf32, #tpu.memory_space<vmem>>, vector<1x16xf32>,
      %swap3A_794 = vector.shape_cast %swap3A_793 : vector<1x16xf32> to vector<16xf32>
      %swap3A_795 = vector.shape_cast %mul3A_787 : vector<16xf32> to vector<1x16xf32>
      tpu.vector_store %swap3A_790[%swap3A_791, %swap3A_792], %swap3A_795 {strides = array<i32>} : memref<128x128xf32, #tpu.memory_space<vmem>>, vector<1x16xf32>,
      %scan3A_796 = arith.constant 0 : i32
      scf.yield %scan3A_796 : i32
    }
    %scan3A_271 = arith.constant 128 : i32
    %add3A_272 = arith.constant 128 : i32
    %add3A_273 = arith.addi %mul3A_2, %add3A_272 : i32
    %dma_start3A_274 = arith.constant 256 : i32
    %dma_start3A_275 = arith.constant 0 : i32
    %dma_start3A_276 = tpu.memref_slice %arg13[%dma_start3A_274, %dma_start3A_275] : memref<768x128xf32, #tpu.memory_space<vmem>> -> memref<128x128xf32, #tpu.memory_space<vmem>>
    %dma_start3A_277 = arith.constant 0 : i32
    %dma_start3A_278 = tpu.memref_slice %arg10[%add3A_273, %dma_start3A_277] : memref<16384x128xf32, #tpu.memory_space<hbm>> -> memref<128x128xf32, #tpu.memory_space<hbm>>
    %dma_start3A_279 = arith.constant 0 : i32
    %dma_start3A_280 = tpu.memref_slice %arg10[%add3A_273, %dma_start3A_279] : memref<16384x128xf32, #tpu.memory_space<hbm>> -> memref<128x128xf32, #tpu.memory_space<hbm>>
    %dma_start3A_281 = arith.constant 256 : i32
    %dma_start3A_282 = arith.constant 0 : i32
    %dma_start3A_283 = tpu.memref_slice %arg13[%dma_start3A_281, %dma_start3A_282] : memref<768x128xf32, #tpu.memory_space<vmem>> -> memref<128x128xf32, #tpu.memory_space<vmem>>
    tpu.enqueue_dma source(%dma_start3A_283 : memref<128x128xf32, #tpu.memory_space<vmem>>) target(%dma_start3A_280 : memref<128x128xf32, #tpu.memory_space<hbm>>) target_semaphore(%arg17 : memref<!tpu.dma_semaphore, #tpu.memory_space<semaphore_mem>>)
    %dma_wait3A_284 = arith.constant 512 : i32
    %dma_wait3A_285 = arith.constant 0 : i32
    %dma_wait3A_286 = tpu.memref_slice %arg13[%dma_wait3A_284, %dma_wait3A_285] : memref<768x128xf32, #tpu.memory_space<vmem>> -> memref<128x128xf32, #tpu.memory_space<vmem>>
    %dma_wait3A_287 = arith.constant 0 : i32
    %dma_wait3A_288 = tpu.memref_slice %arg8[%add3A_8, %dma_wait3A_287] : memref<16384x128xf32, #tpu.memory_space<hbm>> -> memref<128x128xf32, #tpu.memory_space<hbm>>
    %dma_wait3A_289 = arith.constant 0 : i32
    %dma_wait3A_290 = tpu.memref_slice %arg8[%add3A_8, %dma_wait3A_289] : memref<16384x128xf32, #tpu.memory_space<hbm>> -> memref<128x128xf32, #tpu.memory_space<hbm>>
    %dma_wait3A_291 = arith.constant 512 : i32
    %dma_wait3A_292 = arith.constant 0 : i32
    %dma_wait3A_293 = tpu.memref_slice %arg13[%dma_wait3A_291, %dma_wait3A_292] : memref<768x128xf32, #tpu.memory_space<vmem>> -> memref<128x128xf32, #tpu.memory_space<vmem>>
    tpu.wait_dma2 semaphore(%arg16 : memref<!tpu.dma_semaphore, #tpu.memory_space<semaphore_mem>>) src(%dma_wait3A_293 : memref<128x128xf32, #tpu.memory_space<vmem>>) dst(%dma_wait3A_290 : memref<128x128xf32, #tpu.memory_space<hbm>>)
    %dma_start3A_294 = arith.constant 0 : i32
    %dma_start3A_295 = arith.constant 512 : i32
    %dma_start3A_296 = arith.constant 0 : i32
    %dma_start3A_297 = tpu.memref_slice %arg13[%dma_start3A_295, %dma_start3A_296] : memref<768x128xf32, #tpu.memory_space<vmem>> -> memref<128x128xf32, #tpu.memory_space<vmem>>
    %dma_start3A_298 = arith.constant 0 : i32
    %dma_start3A_299 = tpu.memref_slice %arg12[%dma_start3A_294, %dma_start3A_298] : memref<4x128xi32, #tpu.memory_space<vmem>> -> memref<1x128xi32, #tpu.memory_space<vmem>>
    %dma_start3A_300 = tpu.memref_squeeze %dma_start3A_299 : memref<1x128xi32, #tpu.memory_space<vmem>> -> memref<128xi32, #tpu.memory_space<vmem>>
    %dma_start3A_301 = arith.constant 0 : i32
    %dma_start3A_302 = arith.constant 0 : i32
    %dma_start3A_303 = tpu.memref_slice %arg5[%dma_start3A_301, %dma_start3A_302] : memref<100000x128xf32, #tpu.memory_space<hbm>> -> memref<100000x128xf32, #tpu.memory_space<hbm>>
    tpu.enqueue_indirect_dma source(%dma_start3A_303 : memref<100000x128xf32, #tpu.memory_space<hbm>>) target(%dma_start3A_297 : memref<128x128xf32, #tpu.memory_space<vmem>>) offsets(%dma_start3A_300 : memref<128xi32, #tpu.memory_space<vmem>>) semaphore(%arg14 : memref<!tpu.dma_semaphore, #tpu.memory_space<semaphore_mem>>)
    %dma_wait3A_304 = arith.constant 3 : i32
    %dma_wait3A_305 = arith.constant 640 : i32
    %dma_wait3A_306 = arith.constant 0 : i32
    %dma_wait3A_307 = tpu.memref_slice %arg13[%dma_wait3A_305, %dma_wait3A_306] : memref<768x128xf32, #tpu.memory_space<vmem>> -> memref<128x128xf32, #tpu.memory_space<vmem>>
    %dma_wait3A_308 = arith.constant 0 : i32
    %dma_wait3A_309 = tpu.memref_slice %arg11[%dma_wait3A_304, %dma_wait3A_308] : memref<4x128xi32, #tpu.memory_space<vmem>> -> memref<1x128xi32, #tpu.memory_space<vmem>>
    %dma_wait3A_310 = tpu.memref_squeeze %dma_wait3A_309 : memref<1x128xi32, #tpu.memory_space<vmem>> -> memref<128xi32, #tpu.memory_space<vmem>>
    %dma_wait3A_311 = arith.constant 0 : i32
    %dma_wait3A_312 = arith.constant 0 : i32
    %dma_wait3A_313 = tpu.memref_slice %arg4[%dma_wait3A_311, %dma_wait3A_312] : memref<100000x128xf32, #tpu.memory_space<hbm>> -> memref<100000x128xf32, #tpu.memory_space<hbm>>
    tpu.wait_indirect_dma semaphore(%arg14 : memref<!tpu.dma_semaphore, #tpu.memory_space<semaphore_mem>>) src(%dma_wait3A_313 : memref<100000x128xf32, #tpu.memory_space<hbm>>) dst(%dma_wait3A_307 : memref<128x128xf32, #tpu.memory_space<vmem>>)
    %dma_start3A_314 = arith.constant 640 : i32
    %dma_start3A_315 = arith.constant 0 : i32
    %dma_start3A_316 = tpu.memref_slice %arg13[%dma_start3A_314, %dma_start3A_315] : memref<768x128xf32, #tpu.memory_space<vmem>> -> memref<128x128xf32, #tpu.memory_space<vmem>>
    %dma_start3A_317 = arith.constant 0 : i32
    %dma_start3A_318 = tpu.memref_slice %arg8[%add3A_10, %dma_start3A_317] : memref<16384x128xf32, #tpu.memory_space<hbm>> -> memref<128x128xf32, #tpu.memory_space<hbm>>
    %dma_start3A_319 = arith.constant 0 : i32
    %dma_start3A_320 = tpu.memref_slice %arg8[%add3A_10, %dma_start3A_319] : memref<16384x128xf32, #tpu.memory_space<hbm>> -> memref<128x128xf32, #tpu.memory_space<hbm>>
    %dma_start3A_321 = arith.constant 640 : i32
    %dma_start3A_322 = arith.constant 0 : i32
    %dma_start3A_323 = tpu.memref_slice %arg13[%dma_start3A_321, %dma_start3A_322] : memref<768x128xf32, #tpu.memory_space<vmem>> -> memref<128x128xf32, #tpu.memory_space<vmem>>
    tpu.enqueue_dma source(%dma_start3A_323 : memref<128x128xf32, #tpu.memory_space<vmem>>) target(%dma_start3A_320 : memref<128x128xf32, #tpu.memory_space<hbm>>) target_semaphore(%arg16 : memref<!tpu.dma_semaphore, #tpu.memory_space<semaphore_mem>>)
    %dma_wait3A_324 = arith.constant 256 : i32
    %dma_wait3A_325 = arith.constant 0 : i32
    %dma_wait3A_326 = tpu.memref_slice %arg13[%dma_wait3A_324, %dma_wait3A_325] : memref<768x128xf32, #tpu.memory_space<vmem>> -> memref<128x128xf32, #tpu.memory_space<vmem>>
    %dma_wait3A_327 = arith.constant 0 : i32
    %dma_wait3A_328 = tpu.memref_slice %arg10[%add3A_273, %dma_wait3A_327] : memref<16384x128xf32, #tpu.memory_space<hbm>> -> memref<128x128xf32, #tpu.memory_space<hbm>>
    %dma_wait3A_329 = arith.constant 0 : i32
    %dma_wait3A_330 = tpu.memref_slice %arg10[%add3A_273, %dma_wait3A_329] : memref<16384x128xf32, #tpu.memory_space<hbm>> -> memref<128x128xf32, #tpu.memory_space<hbm>>
    %dma_wait3A_331 = arith.constant 256 : i32
    %dma_wait3A_332 = arith.constant 0 : i32
    %dma_wait3A_333 = tpu.memref_slice %arg13[%dma_wait3A_331, %dma_wait3A_332] : memref<768x128xf32, #tpu.memory_space<vmem>> -> memref<128x128xf32, #tpu.memory_space<vmem>>
    tpu.wait_dma2 semaphore(%arg17 : memref<!tpu.dma_semaphore, #tpu.memory_space<semaphore_mem>>) src(%dma_wait3A_333 : memref<128x128xf32, #tpu.memory_space<vmem>>) dst(%dma_wait3A_330 : memref<128x128xf32, #tpu.memory_space<hbm>>)
    %dma_start3A_334 = arith.constant 3 : i32
    %dma_start3A_335 = arith.constant 256 : i32
    %dma_start3A_336 = arith.constant 0 : i32
    %dma_start3A_337 = tpu.memref_slice %arg13[%dma_start3A_335, %dma_start3A_336] : memref<768x128xf32, #tpu.memory_space<vmem>> -> memref<128x128xf32, #tpu.memory_space<vmem>>
    %dma_start3A_338 = arith.constant 0 : i32
    %dma_start3A_339 = tpu.memref_slice %arg11[%dma_start3A_334, %dma_start3A_338] : memref<4x128xi32, #tpu.memory_space<vmem>> -> memref<1x128xi32, #tpu.memory_space<vmem>>
    %dma_start3A_340 = tpu.memref_squeeze %dma_start3A_339 : memref<1x128xi32, #tpu.memory_space<vmem>> -> memref<128xi32, #tpu.memory_space<vmem>>
    %dma_start3A_341 = arith.constant 0 : i32
    %dma_start3A_342 = arith.constant 0 : i32
    %dma_start3A_343 = tpu.memref_slice %arg6[%dma_start3A_341, %dma_start3A_342] : memref<100000x128xf32, #tpu.memory_space<hbm>> -> memref<100000x128xf32, #tpu.memory_space<hbm>>
    tpu.enqueue_indirect_dma source(%dma_start3A_343 : memref<100000x128xf32, #tpu.memory_space<hbm>>) target(%dma_start3A_337 : memref<128x128xf32, #tpu.memory_space<vmem>>) offsets(%dma_start3A_340 : memref<128xi32, #tpu.memory_space<vmem>>) semaphore(%arg15 : memref<!tpu.dma_semaphore, #tpu.memory_space<semaphore_mem>>)
    %dma_start3A_344 = arith.constant 3 : i32
    %dma_start3A_345 = arith.constant 384 : i32
    %dma_start3A_346 = arith.constant 0 : i32
    %dma_start3A_347 = tpu.memref_slice %arg13[%dma_start3A_345, %dma_start3A_346] : memref<768x128xf32, #tpu.memory_space<vmem>> -> memref<128x128xf32, #tpu.memory_space<vmem>>
    %dma_start3A_348 = arith.constant 0 : i32
    %dma_start3A_349 = tpu.memref_slice %arg12[%dma_start3A_344, %dma_start3A_348] : memref<4x128xi32, #tpu.memory_space<vmem>> -> memref<1x128xi32, #tpu.memory_space<vmem>>
    %dma_start3A_350 = tpu.memref_squeeze %dma_start3A_349 : memref<1x128xi32, #tpu.memory_space<vmem>> -> memref<128xi32, #tpu.memory_space<vmem>>
    %dma_start3A_351 = arith.constant 0 : i32
    %dma_start3A_352 = arith.constant 0 : i32
    %dma_start3A_353 = tpu.memref_slice %arg7[%dma_start3A_351, %dma_start3A_352] : memref<100000x128xf32, #tpu.memory_space<hbm>> -> memref<100000x128xf32, #tpu.memory_space<hbm>>
    tpu.enqueue_indirect_dma source(%dma_start3A_353 : memref<100000x128xf32, #tpu.memory_space<hbm>>) target(%dma_start3A_347 : memref<128x128xf32, #tpu.memory_space<vmem>>) offsets(%dma_start3A_350 : memref<128xi32, #tpu.memory_space<vmem>>) semaphore(%arg15 : memref<!tpu.dma_semaphore, #tpu.memory_space<semaphore_mem>>)
    %dma_wait3A_354 = arith.constant 640 : i32
    %dma_wait3A_355 = arith.constant 0 : i32
    %dma_wait3A_356 = tpu.memref_slice %arg13[%dma_wait3A_354, %dma_wait3A_355] : memref<768x128xf32, #tpu.memory_space<vmem>> -> memref<128x128xf32, #tpu.memory_space<vmem>>
    %dma_wait3A_357 = arith.constant 0 : i32
    %dma_wait3A_358 = tpu.memref_slice %arg8[%add3A_10, %dma_wait3A_357] : memref<16384x128xf32, #tpu.memory_space<hbm>> -> memref<128x128xf32, #tpu.memory_space<hbm>>
    %dma_wait3A_359 = arith.constant 0 : i32
    %dma_wait3A_360 = tpu.memref_slice %arg8[%add3A_10, %dma_wait3A_359] : memref<16384x128xf32, #tpu.memory_space<hbm>> -> memref<128x128xf32, #tpu.memory_space<hbm>>
    %dma_wait3A_361 = arith.constant 640 : i32
    %dma_wait3A_362 = arith.constant 0 : i32
    %dma_wait3A_363 = tpu.memref_slice %arg13[%dma_wait3A_361, %dma_wait3A_362] : memref<768x128xf32, #tpu.memory_space<vmem>> -> memref<128x128xf32, #tpu.memory_space<vmem>>
    tpu.wait_dma2 semaphore(%arg16 : memref<!tpu.dma_semaphore, #tpu.memory_space<semaphore_mem>>) src(%dma_wait3A_363 : memref<128x128xf32, #tpu.memory_space<vmem>>) dst(%dma_wait3A_360 : memref<128x128xf32, #tpu.memory_space<hbm>>)
    %dma_start3A_364 = arith.constant 1 : i32
    %dma_start3A_365 = arith.constant 640 : i32
    %dma_start3A_366 = arith.constant 0 : i32
    %dma_start3A_367 = tpu.memref_slice %arg13[%dma_start3A_365, %dma_start3A_366] : memref<768x128xf32, #tpu.memory_space<vmem>> -> memref<128x128xf32, #tpu.memory_space<vmem>>
    %dma_start3A_368 = arith.constant 0 : i32
    %dma_start3A_369 = tpu.memref_slice %arg12[%dma_start3A_364, %dma_start3A_368] : memref<4x128xi32, #tpu.memory_space<vmem>> -> memref<1x128xi32, #tpu.memory_space<vmem>>
    %dma_start3A_370 = tpu.memref_squeeze %dma_start3A_369 : memref<1x128xi32, #tpu.memory_space<vmem>> -> memref<128xi32, #tpu.memory_space<vmem>>
    %dma_start3A_371 = arith.constant 0 : i32
    %dma_start3A_372 = arith.constant 0 : i32
    %dma_start3A_373 = tpu.memref_slice %arg5[%dma_start3A_371, %dma_start3A_372] : memref<100000x128xf32, #tpu.memory_space<hbm>> -> memref<100000x128xf32, #tpu.memory_space<hbm>>
    tpu.enqueue_indirect_dma source(%dma_start3A_373 : memref<100000x128xf32, #tpu.memory_space<hbm>>) target(%dma_start3A_367 : memref<128x128xf32, #tpu.memory_space<vmem>>) offsets(%dma_start3A_370 : memref<128xi32, #tpu.memory_space<vmem>>) semaphore(%arg14 : memref<!tpu.dma_semaphore, #tpu.memory_space<semaphore_mem>>)
    %dma_wait3A_374 = arith.constant 0 : i32
    %dma_wait3A_375 = arith.constant 512 : i32
    %dma_wait3A_376 = arith.constant 0 : i32
    %dma_wait3A_377 = tpu.memref_slice %arg13[%dma_wait3A_375, %dma_wait3A_376] : memref<768x128xf32, #tpu.memory_space<vmem>> -> memref<128x128xf32, #tpu.memory_space<vmem>>
    %dma_wait3A_378 = arith.constant 0 : i32
    %dma_wait3A_379 = tpu.memref_slice %arg12[%dma_wait3A_374, %dma_wait3A_378] : memref<4x128xi32, #tpu.memory_space<vmem>> -> memref<1x128xi32, #tpu.memory_space<vmem>>
    %dma_wait3A_380 = tpu.memref_squeeze %dma_wait3A_379 : memref<1x128xi32, #tpu.memory_space<vmem>> -> memref<128xi32, #tpu.memory_space<vmem>>
    %dma_wait3A_381 = arith.constant 0 : i32
    %dma_wait3A_382 = arith.constant 0 : i32
    %dma_wait3A_383 = tpu.memref_slice %arg5[%dma_wait3A_381, %dma_wait3A_382] : memref<100000x128xf32, #tpu.memory_space<hbm>> -> memref<100000x128xf32, #tpu.memory_space<hbm>>
    tpu.wait_indirect_dma semaphore(%arg14 : memref<!tpu.dma_semaphore, #tpu.memory_space<semaphore_mem>>) src(%dma_wait3A_383 : memref<100000x128xf32, #tpu.memory_space<hbm>>) dst(%dma_wait3A_377 : memref<128x128xf32, #tpu.memory_space<vmem>>)
    %dma_start3A_384 = arith.constant 512 : i32
    %dma_start3A_385 = arith.constant 0 : i32
    %dma_start3A_386 = tpu.memref_slice %arg13[%dma_start3A_384, %dma_start3A_385] : memref<768x128xf32, #tpu.memory_space<vmem>> -> memref<128x128xf32, #tpu.memory_space<vmem>>
    %dma_start3A_387 = arith.constant 0 : i32
    %dma_start3A_388 = tpu.memref_slice %arg9[%add3A_12, %dma_start3A_387] : memref<16384x128xf32, #tpu.memory_space<hbm>> -> memref<128x128xf32, #tpu.memory_space<hbm>>
    %dma_start3A_389 = arith.constant 0 : i32
    %dma_start3A_390 = tpu.memref_slice %arg9[%add3A_12, %dma_start3A_389] : memref<16384x128xf32, #tpu.memory_space<hbm>> -> memref<128x128xf32, #tpu.memory_space<hbm>>
    %dma_start3A_391 = arith.constant 512 : i32
    %dma_start3A_392 = arith.constant 0 : i32
    %dma_start3A_393 = tpu.memref_slice %arg13[%dma_start3A_391, %dma_start3A_392] : memref<768x128xf32, #tpu.memory_space<vmem>> -> memref<128x128xf32, #tpu.memory_space<vmem>>
    tpu.enqueue_dma source(%dma_start3A_393 : memref<128x128xf32, #tpu.memory_space<vmem>>) target(%dma_start3A_390 : memref<128x128xf32, #tpu.memory_space<hbm>>) target_semaphore(%arg16 : memref<!tpu.dma_semaphore, #tpu.memory_space<semaphore_mem>>)
    %dma_wait3A_394 = arith.constant 2 : i32
    %dma_wait3A_395 = arith.constant 0 : i32
    %dma_wait3A_396 = arith.constant 0 : i32
    %dma_wait3A_397 = tpu.memref_slice %arg13[%dma_wait3A_395, %dma_wait3A_396] : memref<768x128xf32, #tpu.memory_space<vmem>> -> memref<128x128xf32, #tpu.memory_space<vmem>>
    %dma_wait3A_398 = arith.constant 0 : i32
    %dma_wait3A_399 = tpu.memref_slice %arg11[%dma_wait3A_394, %dma_wait3A_398] : memref<4x128xi32, #tpu.memory_space<vmem>> -> memref<1x128xi32, #tpu.memory_space<vmem>>
    %dma_wait3A_400 = tpu.memref_squeeze %dma_wait3A_399 : memref<1x128xi32, #tpu.memory_space<vmem>> -> memref<128xi32, #tpu.memory_space<vmem>>
    %dma_wait3A_401 = arith.constant 0 : i32
    %dma_wait3A_402 = arith.constant 0 : i32
    %dma_wait3A_403 = tpu.memref_slice %arg6[%dma_wait3A_401, %dma_wait3A_402] : memref<100000x128xf32, #tpu.memory_space<hbm>> -> memref<100000x128xf32, #tpu.memory_space<hbm>>
    tpu.wait_indirect_dma semaphore(%arg15 : memref<!tpu.dma_semaphore, #tpu.memory_space<semaphore_mem>>) src(%dma_wait3A_403 : memref<100000x128xf32, #tpu.memory_space<hbm>>) dst(%dma_wait3A_397 : memref<128x128xf32, #tpu.memory_space<vmem>>)
    %dma_wait3A_404 = arith.constant 2 : i32
    %dma_wait3A_405 = arith.constant 128 : i32
    %dma_wait3A_406 = arith.constant 0 : i32
    %dma_wait3A_407 = tpu.memref_slice %arg13[%dma_wait3A_405, %dma_wait3A_406] : memref<768x128xf32, #tpu.memory_space<vmem>> -> memref<128x128xf32, #tpu.memory_space<vmem>>
    %dma_wait3A_408 = arith.constant 0 : i32
    %dma_wait3A_409 = tpu.memref_slice %arg12[%dma_wait3A_404, %dma_wait3A_408] : memref<4x128xi32, #tpu.memory_space<vmem>> -> memref<1x128xi32, #tpu.memory_space<vmem>>
    %dma_wait3A_410 = tpu.memref_squeeze %dma_wait3A_409 : memref<1x128xi32, #tpu.memory_space<vmem>> -> memref<128xi32, #tpu.memory_space<vmem>>
    %dma_wait3A_411 = arith.constant 0 : i32
    %dma_wait3A_412 = arith.constant 0 : i32
    %dma_wait3A_413 = tpu.memref_slice %arg7[%dma_wait3A_411, %dma_wait3A_412] : memref<100000x128xf32, #tpu.memory_space<hbm>> -> memref<100000x128xf32, #tpu.memory_space<hbm>>
    tpu.wait_indirect_dma semaphore(%arg15 : memref<!tpu.dma_semaphore, #tpu.memory_space<semaphore_mem>>) src(%dma_wait3A_413 : memref<100000x128xf32, #tpu.memory_space<hbm>>) dst(%dma_wait3A_407 : memref<128x128xf32, #tpu.memory_space<vmem>>)
    %scan3A_414 = arith.constant 0 : i32
    %scan3A_415 = arith.constant 0 : i32
    %scan3A_416 = arith.constant 128 : i32
    %scan3A_417 = arith.addi %scan3A_415, %scan3A_416 : i32
    %scan3A_418 = arith.constant 1 : i32
    %scan3A_419 = scf.for %scan3A_612 = %scan3A_415 to %scan3A_417 step %scan3A_418 iter_args(%scan3A_613 = %scan3A_414) -> (i32)  : i32 {
      %get3A = arith.constant 0 : i32
      %get3A_614 = arith.constant 0 : i32
      %get3A_615 = tpu.memref_slice %arg13[%get3A, %get3A_614] : memref<768x128xf32, #tpu.memory_space<vmem>> -> memref<128x128xf32, #tpu.memory_space<vmem>>
      %get3A_616 = arith.index_cast %scan3A_612 : i32 to index
      %get3A_617 = arith.constant 0 : index
      %get3A_618 = tpu.vector_load %get3A_615[%get3A_616, %get3A_617] {strides = array<i32>} : memref<128x128xf32, #tpu.memory_space<vmem>>, vector<1x16xf32>,
      %get3A_619 = vector.shape_cast %get3A_618 : vector<1x16xf32> to vector<16xf32>
      %get3A_620 = arith.constant 128 : i32
      %get3A_621 = arith.constant 0 : i32
      %get3A_622 = tpu.memref_slice %arg13[%get3A_620, %get3A_621] : memref<768x128xf32, #tpu.memory_space<vmem>> -> memref<128x128xf32, #tpu.memory_space<vmem>>
      %get3A_623 = arith.index_cast %scan3A_612 : i32 to index
      %get3A_624 = arith.constant 0 : index
      %get3A_625 = tpu.vector_load %get3A_622[%get3A_623, %get3A_624] {strides = array<i32>} : memref<128x128xf32, #tpu.memory_space<vmem>>, vector<1x16xf32>,
      %get3A_626 = vector.shape_cast %get3A_625 : vector<1x16xf32> to vector<16xf32>
      %mul3A_627 = arith.mulf %get3A_619, %get3A_626 : vector<16xf32>
      %swap3A = arith.constant 0 : i32
      %swap3A_628 = arith.constant 0 : i32
      %swap3A_629 = tpu.memref_slice %arg13[%swap3A, %swap3A_628] : memref<768x128xf32, #tpu.memory_space<vmem>> -> memref<128x128xf32, #tpu.memory_space<vmem>>
      %swap3A_630 = arith.index_cast %scan3A_612 : i32 to index
      %swap3A_631 = arith.constant 0 : index
      %swap3A_632 = tpu.vector_load %swap3A_629[%swap3A_630, %swap3A_631] {strides = array<i32>} : memref<128x128xf32, #tpu.memory_space<vmem>>, vector<1x16xf32>,
      %swap3A_633 = vector.shape_cast %swap3A_632 : vector<1x16xf32> to vector<16xf32>
      %swap3A_634 = vector.shape_cast %mul3A_627 : vector<16xf32> to vector<1x16xf32>
      tpu.vector_store %swap3A_629[%swap3A_630, %swap3A_631], %swap3A_634 {strides = array<i32>} : memref<128x128xf32, #tpu.memory_space<vmem>>, vector<1x16xf32>,
      %get3A_635 = arith.constant 0 : i32
      %get3A_636 = arith.constant 0 : i32
      %get3A_637 = tpu.memref_slice %arg13[%get3A_635, %get3A_636] : memref<768x128xf32, #tpu.memory_space<vmem>> -> memref<128x128xf32, #tpu.memory_space<vmem>>
      %get3A_638 = arith.index_cast %scan3A_612 : i32 to index
      %get3A_639 = arith.constant 16 : index
      %get3A_640 = tpu.vector_load %get3A_637[%get3A_638, %get3A_639] {strides = array<i32>} : memref<128x128xf32, #tpu.memory_space<vmem>>, vector<1x16xf32>,
      %get3A_641 = vector.shape_cast %get3A_640 : vector<1x16xf32> to vector<16xf32>
      %get3A_642 = arith.constant 128 : i32
      %get3A_643 = arith.constant 0 : i32
      %get3A_644 = tpu.memref_slice %arg13[%get3A_642, %get3A_643] : memref<768x128xf32, #tpu.memory_space<vmem>> -> memref<128x128xf32, #tpu.memory_space<vmem>>
      %get3A_645 = arith.index_cast %scan3A_612 : i32 to index
      %get3A_646 = arith.constant 16 : index
      %get3A_647 = tpu.vector_load %get3A_644[%get3A_645, %get3A_646] {strides = array<i32>} : memref<128x128xf32, #tpu.memory_space<vmem>>, vector<1x16xf32>,
      %get3A_648 = vector.shape_cast %get3A_647 : vector<1x16xf32> to vector<16xf32>
      %mul3A_649 = arith.mulf %get3A_641, %get3A_648 : vector<16xf32>
      %swap3A_650 = arith.constant 0 : i32
      %swap3A_651 = arith.constant 0 : i32
      %swap3A_652 = tpu.memref_slice %arg13[%swap3A_650, %swap3A_651] : memref<768x128xf32, #tpu.memory_space<vmem>> -> memref<128x128xf32, #tpu.memory_space<vmem>>
      %swap3A_653 = arith.index_cast %scan3A_612 : i32 to index
      %swap3A_654 = arith.constant 16 : index
      %swap3A_655 = tpu.vector_load %swap3A_652[%swap3A_653, %swap3A_654] {strides = array<i32>} : memref<128x128xf32, #tpu.memory_space<vmem>>, vector<1x16xf32>,
      %swap3A_656 = vector.shape_cast %swap3A_655 : vector<1x16xf32> to vector<16xf32>
      %swap3A_657 = vector.shape_cast %mul3A_649 : vector<16xf32> to vector<1x16xf32>
      tpu.vector_store %swap3A_652[%swap3A_653, %swap3A_654], %swap3A_657 {strides = array<i32>} : memref<128x128xf32, #tpu.memory_space<vmem>>, vector<1x16xf32>,
      %get3A_658 = arith.constant 0 : i32
      %get3A_659 = arith.constant 0 : i32
      %get3A_660 = tpu.memref_slice %arg13[%get3A_658, %get3A_659] : memref<768x128xf32, #tpu.memory_space<vmem>> -> memref<128x128xf32, #tpu.memory_space<vmem>>
      %get3A_661 = arith.index_cast %scan3A_612 : i32 to index
      %get3A_662 = arith.constant 32 : index
      %get3A_663 = tpu.vector_load %get3A_660[%get3A_661, %get3A_662] {strides = array<i32>} : memref<128x128xf32, #tpu.memory_space<vmem>>, vector<1x16xf32>,
      %get3A_664 = vector.shape_cast %get3A_663 : vector<1x16xf32> to vector<16xf32>
      %get3A_665 = arith.constant 128 : i32
      %get3A_666 = arith.constant 0 : i32
      %get3A_667 = tpu.memref_slice %arg13[%get3A_665, %get3A_666] : memref<768x128xf32, #tpu.memory_space<vmem>> -> memref<128x128xf32, #tpu.memory_space<vmem>>
      %get3A_668 = arith.index_cast %scan3A_612 : i32 to index
      %get3A_669 = arith.constant 32 : index
      %get3A_670 = tpu.vector_load %get3A_667[%get3A_668, %get3A_669] {strides = array<i32>} : memref<128x128xf32, #tpu.memory_space<vmem>>, vector<1x16xf32>,
      %get3A_671 = vector.shape_cast %get3A_670 : vector<1x16xf32> to vector<16xf32>
      %mul3A_672 = arith.mulf %get3A_664, %get3A_671 : vector<16xf32>
      %swap3A_673 = arith.constant 0 : i32
      %swap3A_674 = arith.constant 0 : i32
      %swap3A_675 = tpu.memref_slice %arg13[%swap3A_673, %swap3A_674] : memref<768x128xf32, #tpu.memory_space<vmem>> -> memref<128x128xf32, #tpu.memory_space<vmem>>
      %swap3A_676 = arith.index_cast %scan3A_612 : i32 to index
      %swap3A_677 = arith.constant 32 : index
      %swap3A_678 = tpu.vector_load %swap3A_675[%swap3A_676, %swap3A_677] {strides = array<i32>} : memref<128x128xf32, #tpu.memory_space<vmem>>, vector<1x16xf32>,
      %swap3A_679 = vector.shape_cast %swap3A_678 : vector<1x16xf32> to vector<16xf32>
      %swap3A_680 = vector.shape_cast %mul3A_672 : vector<16xf32> to vector<1x16xf32>
      tpu.vector_store %swap3A_675[%swap3A_676, %swap3A_677], %swap3A_680 {strides = array<i32>} : memref<128x128xf32, #tpu.memory_space<vmem>>, vector<1x16xf32>,
      %get3A_681 = arith.constant 0 : i32
      %get3A_682 = arith.constant 0 : i32
      %get3A_683 = tpu.memref_slice %arg13[%get3A_681, %get3A_682] : memref<768x128xf32, #tpu.memory_space<vmem>> -> memref<128x128xf32, #tpu.memory_space<vmem>>
      %get3A_684 = arith.index_cast %scan3A_612 : i32 to index
      %get3A_685 = arith.constant 48 : index
      %get3A_686 = tpu.vector_load %get3A_683[%get3A_684, %get3A_685] {strides = array<i32>} : memref<128x128xf32, #tpu.memory_space<vmem>>, vector<1x16xf32>,
      %get3A_687 = vector.shape_cast %get3A_686 : vector<1x16xf32> to vector<16xf32>
      %get3A_688 = arith.constant 128 : i32
      %get3A_689 = arith.constant 0 : i32
      %get3A_690 = tpu.memref_slice %arg13[%get3A_688, %get3A_689] : memref<768x128xf32, #tpu.memory_space<vmem>> -> memref<128x128xf32, #tpu.memory_space<vmem>>
      %get3A_691 = arith.index_cast %scan3A_612 : i32 to index
      %get3A_692 = arith.constant 48 : index
      %get3A_693 = tpu.vector_load %get3A_690[%get3A_691, %get3A_692] {strides = array<i32>} : memref<128x128xf32, #tpu.memory_space<vmem>>, vector<1x16xf32>,
      %get3A_694 = vector.shape_cast %get3A_693 : vector<1x16xf32> to vector<16xf32>
      %mul3A_695 = arith.mulf %get3A_687, %get3A_694 : vector<16xf32>
      %swap3A_696 = arith.constant 0 : i32
      %swap3A_697 = arith.constant 0 : i32
      %swap3A_698 = tpu.memref_slice %arg13[%swap3A_696, %swap3A_697] : memref<768x128xf32, #tpu.memory_space<vmem>> -> memref<128x128xf32, #tpu.memory_space<vmem>>
      %swap3A_699 = arith.index_cast %scan3A_612 : i32 to index
      %swap3A_700 = arith.constant 48 : index
      %swap3A_701 = tpu.vector_load %swap3A_698[%swap3A_699, %swap3A_700] {strides = array<i32>} : memref<128x128xf32, #tpu.memory_space<vmem>>, vector<1x16xf32>,
      %swap3A_702 = vector.shape_cast %swap3A_701 : vector<1x16xf32> to vector<16xf32>
      %swap3A_703 = vector.shape_cast %mul3A_695 : vector<16xf32> to vector<1x16xf32>
      tpu.vector_store %swap3A_698[%swap3A_699, %swap3A_700], %swap3A_703 {strides = array<i32>} : memref<128x128xf32, #tpu.memory_space<vmem>>, vector<1x16xf32>,
      %get3A_704 = arith.constant 0 : i32
      %get3A_705 = arith.constant 0 : i32
      %get3A_706 = tpu.memref_slice %arg13[%get3A_704, %get3A_705] : memref<768x128xf32, #tpu.memory_space<vmem>> -> memref<128x128xf32, #tpu.memory_space<vmem>>
      %get3A_707 = arith.index_cast %scan3A_612 : i32 to index
      %get3A_708 = arith.constant 64 : index
      %get3A_709 = tpu.vector_load %get3A_706[%get3A_707, %get3A_708] {strides = array<i32>} : memref<128x128xf32, #tpu.memory_space<vmem>>, vector<1x16xf32>,
      %get3A_710 = vector.shape_cast %get3A_709 : vector<1x16xf32> to vector<16xf32>
      %get3A_711 = arith.constant 128 : i32
      %get3A_712 = arith.constant 0 : i32
      %get3A_713 = tpu.memref_slice %arg13[%get3A_711, %get3A_712] : memref<768x128xf32, #tpu.memory_space<vmem>> -> memref<128x128xf32, #tpu.memory_space<vmem>>
      %get3A_714 = arith.index_cast %scan3A_612 : i32 to index
      %get3A_715 = arith.constant 64 : index
      %get3A_716 = tpu.vector_load %get3A_713[%get3A_714, %get3A_715] {strides = array<i32>} : memref<128x128xf32, #tpu.memory_space<vmem>>, vector<1x16xf32>,
      %get3A_717 = vector.shape_cast %get3A_716 : vector<1x16xf32> to vector<16xf32>
      %mul3A_718 = arith.mulf %get3A_710, %get3A_717 : vector<16xf32>
      %swap3A_719 = arith.constant 0 : i32
      %swap3A_720 = arith.constant 0 : i32
      %swap3A_721 = tpu.memref_slice %arg13[%swap3A_719, %swap3A_720] : memref<768x128xf32, #tpu.memory_space<vmem>> -> memref<128x128xf32, #tpu.memory_space<vmem>>
      %swap3A_722 = arith.index_cast %scan3A_612 : i32 to index
      %swap3A_723 = arith.constant 64 : index
      %swap3A_724 = tpu.vector_load %swap3A_721[%swap3A_722, %swap3A_723] {strides = array<i32>} : memref<128x128xf32, #tpu.memory_space<vmem>>, vector<1x16xf32>,
      %swap3A_725 = vector.shape_cast %swap3A_724 : vector<1x16xf32> to vector<16xf32>
      %swap3A_726 = vector.shape_cast %mul3A_718 : vector<16xf32> to vector<1x16xf32>
      tpu.vector_store %swap3A_721[%swap3A_722, %swap3A_723], %swap3A_726 {strides = array<i32>} : memref<128x128xf32, #tpu.memory_space<vmem>>, vector<1x16xf32>,
      %get3A_727 = arith.constant 0 : i32
      %get3A_728 = arith.constant 0 : i32
      %get3A_729 = tpu.memref_slice %arg13[%get3A_727, %get3A_728] : memref<768x128xf32, #tpu.memory_space<vmem>> -> memref<128x128xf32, #tpu.memory_space<vmem>>
      %get3A_730 = arith.index_cast %scan3A_612 : i32 to index
      %get3A_731 = arith.constant 80 : index
      %get3A_732 = tpu.vector_load %get3A_729[%get3A_730, %get3A_731] {strides = array<i32>} : memref<128x128xf32, #tpu.memory_space<vmem>>, vector<1x16xf32>,
      %get3A_733 = vector.shape_cast %get3A_732 : vector<1x16xf32> to vector<16xf32>
      %get3A_734 = arith.constant 128 : i32
      %get3A_735 = arith.constant 0 : i32
      %get3A_736 = tpu.memref_slice %arg13[%get3A_734, %get3A_735] : memref<768x128xf32, #tpu.memory_space<vmem>> -> memref<128x128xf32, #tpu.memory_space<vmem>>
      %get3A_737 = arith.index_cast %scan3A_612 : i32 to index
      %get3A_738 = arith.constant 80 : index
      %get3A_739 = tpu.vector_load %get3A_736[%get3A_737, %get3A_738] {strides = array<i32>} : memref<128x128xf32, #tpu.memory_space<vmem>>, vector<1x16xf32>,
      %get3A_740 = vector.shape_cast %get3A_739 : vector<1x16xf32> to vector<16xf32>
      %mul3A_741 = arith.mulf %get3A_733, %get3A_740 : vector<16xf32>
      %swap3A_742 = arith.constant 0 : i32
      %swap3A_743 = arith.constant 0 : i32
      %swap3A_744 = tpu.memref_slice %arg13[%swap3A_742, %swap3A_743] : memref<768x128xf32, #tpu.memory_space<vmem>> -> memref<128x128xf32, #tpu.memory_space<vmem>>
      %swap3A_745 = arith.index_cast %scan3A_612 : i32 to index
      %swap3A_746 = arith.constant 80 : index
      %swap3A_747 = tpu.vector_load %swap3A_744[%swap3A_745, %swap3A_746] {strides = array<i32>} : memref<128x128xf32, #tpu.memory_space<vmem>>, vector<1x16xf32>,
      %swap3A_748 = vector.shape_cast %swap3A_747 : vector<1x16xf32> to vector<16xf32>
      %swap3A_749 = vector.shape_cast %mul3A_741 : vector<16xf32> to vector<1x16xf32>
      tpu.vector_store %swap3A_744[%swap3A_745, %swap3A_746], %swap3A_749 {strides = array<i32>} : memref<128x128xf32, #tpu.memory_space<vmem>>, vector<1x16xf32>,
      %get3A_750 = arith.constant 0 : i32
      %get3A_751 = arith.constant 0 : i32
      %get3A_752 = tpu.memref_slice %arg13[%get3A_750, %get3A_751] : memref<768x128xf32, #tpu.memory_space<vmem>> -> memref<128x128xf32, #tpu.memory_space<vmem>>
      %get3A_753 = arith.index_cast %scan3A_612 : i32 to index
      %get3A_754 = arith.constant 96 : index
      %get3A_755 = tpu.vector_load %get3A_752[%get3A_753, %get3A_754] {strides = array<i32>} : memref<128x128xf32, #tpu.memory_space<vmem>>, vector<1x16xf32>,
      %get3A_756 = vector.shape_cast %get3A_755 : vector<1x16xf32> to vector<16xf32>
      %get3A_757 = arith.constant 128 : i32
      %get3A_758 = arith.constant 0 : i32
      %get3A_759 = tpu.memref_slice %arg13[%get3A_757, %get3A_758] : memref<768x128xf32, #tpu.memory_space<vmem>> -> memref<128x128xf32, #tpu.memory_space<vmem>>
      %get3A_760 = arith.index_cast %scan3A_612 : i32 to index
      %get3A_761 = arith.constant 96 : index
      %get3A_762 = tpu.vector_load %get3A_759[%get3A_760, %get3A_761] {strides = array<i32>} : memref<128x128xf32, #tpu.memory_space<vmem>>, vector<1x16xf32>,
      %get3A_763 = vector.shape_cast %get3A_762 : vector<1x16xf32> to vector<16xf32>
      %mul3A_764 = arith.mulf %get3A_756, %get3A_763 : vector<16xf32>
      %swap3A_765 = arith.constant 0 : i32
      %swap3A_766 = arith.constant 0 : i32
      %swap3A_767 = tpu.memref_slice %arg13[%swap3A_765, %swap3A_766] : memref<768x128xf32, #tpu.memory_space<vmem>> -> memref<128x128xf32, #tpu.memory_space<vmem>>
      %swap3A_768 = arith.index_cast %scan3A_612 : i32 to index
      %swap3A_769 = arith.constant 96 : index
      %swap3A_770 = tpu.vector_load %swap3A_767[%swap3A_768, %swap3A_769] {strides = array<i32>} : memref<128x128xf32, #tpu.memory_space<vmem>>, vector<1x16xf32>,
      %swap3A_771 = vector.shape_cast %swap3A_770 : vector<1x16xf32> to vector<16xf32>
      %swap3A_772 = vector.shape_cast %mul3A_764 : vector<16xf32> to vector<1x16xf32>
      tpu.vector_store %swap3A_767[%swap3A_768, %swap3A_769], %swap3A_772 {strides = array<i32>} : memref<128x128xf32, #tpu.memory_space<vmem>>, vector<1x16xf32>,
      %get3A_773 = arith.constant 0 : i32
      %get3A_774 = arith.constant 0 : i32
      %get3A_775 = tpu.memref_slice %arg13[%get3A_773, %get3A_774] : memref<768x128xf32, #tpu.memory_space<vmem>> -> memref<128x128xf32, #tpu.memory_space<vmem>>
      %get3A_776 = arith.index_cast %scan3A_612 : i32 to index
      %get3A_777 = arith.constant 112 : index
      %get3A_778 = tpu.vector_load %get3A_775[%get3A_776, %get3A_777] {strides = array<i32>} : memref<128x128xf32, #tpu.memory_space<vmem>>, vector<1x16xf32>,
      %get3A_779 = vector.shape_cast %get3A_778 : vector<1x16xf32> to vector<16xf32>
      %get3A_780 = arith.constant 128 : i32
      %get3A_781 = arith.constant 0 : i32
      %get3A_782 = tpu.memref_slice %arg13[%get3A_780, %get3A_781] : memref<768x128xf32, #tpu.memory_space<vmem>> -> memref<128x128xf32, #tpu.memory_space<vmem>>
      %get3A_783 = arith.index_cast %scan3A_612 : i32 to index
      %get3A_784 = arith.constant 112 : index
      %get3A_785 = tpu.vector_load %get3A_782[%get3A_783, %get3A_784] {strides = array<i32>} : memref<128x128xf32, #tpu.memory_space<vmem>>, vector<1x16xf32>,
      %get3A_786 = vector.shape_cast %get3A_785 : vector<1x16xf32> to vector<16xf32>
      %mul3A_787 = arith.mulf %get3A_779, %get3A_786 : vector<16xf32>
      %swap3A_788 = arith.constant 0 : i32
      %swap3A_789 = arith.constant 0 : i32
      %swap3A_790 = tpu.memref_slice %arg13[%swap3A_788, %swap3A_789] : memref<768x128xf32, #tpu.memory_space<vmem>> -> memref<128x128xf32, #tpu.memory_space<vmem>>
      %swap3A_791 = arith.index_cast %scan3A_612 : i32 to index
      %swap3A_792 = arith.constant 112 : index
      %swap3A_793 = tpu.vector_load %swap3A_790[%swap3A_791, %swap3A_792] {strides = array<i32>} : memref<128x128xf32, #tpu.memory_space<vmem>>, vector<1x16xf32>,
      %swap3A_794 = vector.shape_cast %swap3A_793 : vector<1x16xf32> to vector<16xf32>
      %swap3A_795 = vector.shape_cast %mul3A_787 : vector<16xf32> to vector<1x16xf32>
      tpu.vector_store %swap3A_790[%swap3A_791, %swap3A_792], %swap3A_795 {strides = array<i32>} : memref<128x128xf32, #tpu.memory_space<vmem>>, vector<1x16xf32>,
      %scan3A_796 = arith.constant 0 : i32
      scf.yield %scan3A_796 : i32
    }
    %scan3A_420 = arith.constant 128 : i32
    %add3A_421 = arith.constant 256 : i32
    %add3A_422 = arith.addi %mul3A_2, %add3A_421 : i32
    %dma_start3A_423 = arith.constant 0 : i32
    %dma_start3A_424 = arith.constant 0 : i32
    %dma_start3A_425 = tpu.memref_slice %arg13[%dma_start3A_423, %dma_start3A_424] : memref<768x128xf32, #tpu.memory_space<vmem>> -> memref<128x128xf32, #tpu.memory_space<vmem>>
    %dma_start3A_426 = arith.constant 0 : i32
    %dma_start3A_427 = tpu.memref_slice %arg10[%add3A_422, %dma_start3A_426] : memref<16384x128xf32, #tpu.memory_space<hbm>> -> memref<128x128xf32, #tpu.memory_space<hbm>>
    %dma_start3A_428 = arith.constant 0 : i32
    %dma_start3A_429 = tpu.memref_slice %arg10[%add3A_422, %dma_start3A_428] : memref<16384x128xf32, #tpu.memory_space<hbm>> -> memref<128x128xf32, #tpu.memory_space<hbm>>
    %dma_start3A_430 = arith.constant 0 : i32
    %dma_start3A_431 = arith.constant 0 : i32
    %dma_start3A_432 = tpu.memref_slice %arg13[%dma_start3A_430, %dma_start3A_431] : memref<768x128xf32, #tpu.memory_space<vmem>> -> memref<128x128xf32, #tpu.memory_space<vmem>>
    tpu.enqueue_dma source(%dma_start3A_432 : memref<128x128xf32, #tpu.memory_space<vmem>>) target(%dma_start3A_429 : memref<128x128xf32, #tpu.memory_space<hbm>>) target_semaphore(%arg17 : memref<!tpu.dma_semaphore, #tpu.memory_space<semaphore_mem>>)
    %dma_wait3A_433 = arith.constant 512 : i32
    %dma_wait3A_434 = arith.constant 0 : i32
    %dma_wait3A_435 = tpu.memref_slice %arg13[%dma_wait3A_433, %dma_wait3A_434] : memref<768x128xf32, #tpu.memory_space<vmem>> -> memref<128x128xf32, #tpu.memory_space<vmem>>
    %dma_wait3A_436 = arith.constant 0 : i32
    %dma_wait3A_437 = tpu.memref_slice %arg9[%add3A_12, %dma_wait3A_436] : memref<16384x128xf32, #tpu.memory_space<hbm>> -> memref<128x128xf32, #tpu.memory_space<hbm>>
    %dma_wait3A_438 = arith.constant 0 : i32
    %dma_wait3A_439 = tpu.memref_slice %arg9[%add3A_12, %dma_wait3A_438] : memref<16384x128xf32, #tpu.memory_space<hbm>> -> memref<128x128xf32, #tpu.memory_space<hbm>>
    %dma_wait3A_440 = arith.constant 512 : i32
    %dma_wait3A_441 = arith.constant 0 : i32
    %dma_wait3A_442 = tpu.memref_slice %arg13[%dma_wait3A_440, %dma_wait3A_441] : memref<768x128xf32, #tpu.memory_space<vmem>> -> memref<128x128xf32, #tpu.memory_space<vmem>>
    tpu.wait_dma2 semaphore(%arg16 : memref<!tpu.dma_semaphore, #tpu.memory_space<semaphore_mem>>) src(%dma_wait3A_442 : memref<128x128xf32, #tpu.memory_space<vmem>>) dst(%dma_wait3A_439 : memref<128x128xf32, #tpu.memory_space<hbm>>)
    %dma_start3A_443 = arith.constant 2 : i32
    %dma_start3A_444 = arith.constant 512 : i32
    %dma_start3A_445 = arith.constant 0 : i32
    %dma_start3A_446 = tpu.memref_slice %arg13[%dma_start3A_444, %dma_start3A_445] : memref<768x128xf32, #tpu.memory_space<vmem>> -> memref<128x128xf32, #tpu.memory_space<vmem>>
    %dma_start3A_447 = arith.constant 0 : i32
    %dma_start3A_448 = tpu.memref_slice %arg12[%dma_start3A_443, %dma_start3A_447] : memref<4x128xi32, #tpu.memory_space<vmem>> -> memref<1x128xi32, #tpu.memory_space<vmem>>
    %dma_start3A_449 = tpu.memref_squeeze %dma_start3A_448 : memref<1x128xi32, #tpu.memory_space<vmem>> -> memref<128xi32, #tpu.memory_space<vmem>>
    %dma_start3A_450 = arith.constant 0 : i32
    %dma_start3A_451 = arith.constant 0 : i32
    %dma_start3A_452 = tpu.memref_slice %arg5[%dma_start3A_450, %dma_start3A_451] : memref<100000x128xf32, #tpu.memory_space<hbm>> -> memref<100000x128xf32, #tpu.memory_space<hbm>>
    tpu.enqueue_indirect_dma source(%dma_start3A_452 : memref<100000x128xf32, #tpu.memory_space<hbm>>) target(%dma_start3A_446 : memref<128x128xf32, #tpu.memory_space<vmem>>) offsets(%dma_start3A_449 : memref<128xi32, #tpu.memory_space<vmem>>) semaphore(%arg14 : memref<!tpu.dma_semaphore, #tpu.memory_space<semaphore_mem>>)
    %dma_wait3A_453 = arith.constant 1 : i32
    %dma_wait3A_454 = arith.constant 640 : i32
    %dma_wait3A_455 = arith.constant 0 : i32
    %dma_wait3A_456 = tpu.memref_slice %arg13[%dma_wait3A_454, %dma_wait3A_455] : memref<768x128xf32, #tpu.memory_space<vmem>> -> memref<128x128xf32, #tpu.memory_space<vmem>>
    %dma_wait3A_457 = arith.constant 0 : i32
    %dma_wait3A_458 = tpu.memref_slice %arg12[%dma_wait3A_453, %dma_wait3A_457] : memref<4x128xi32, #tpu.memory_space<vmem>> -> memref<1x128xi32, #tpu.memory_space<vmem>>
    %dma_wait3A_459 = tpu.memref_squeeze %dma_wait3A_458 : memref<1x128xi32, #tpu.memory_space<vmem>> -> memref<128xi32, #tpu.memory_space<vmem>>
    %dma_wait3A_460 = arith.constant 0 : i32
    %dma_wait3A_461 = arith.constant 0 : i32
    %dma_wait3A_462 = tpu.memref_slice %arg5[%dma_wait3A_460, %dma_wait3A_461] : memref<100000x128xf32, #tpu.memory_space<hbm>> -> memref<100000x128xf32, #tpu.memory_space<hbm>>
    tpu.wait_indirect_dma semaphore(%arg14 : memref<!tpu.dma_semaphore, #tpu.memory_space<semaphore_mem>>) src(%dma_wait3A_462 : memref<100000x128xf32, #tpu.memory_space<hbm>>) dst(%dma_wait3A_456 : memref<128x128xf32, #tpu.memory_space<vmem>>)
    %dma_start3A_463 = arith.constant 640 : i32
    %dma_start3A_464 = arith.constant 0 : i32
    %dma_start3A_465 = tpu.memref_slice %arg13[%dma_start3A_463, %dma_start3A_464] : memref<768x128xf32, #tpu.memory_space<vmem>> -> memref<128x128xf32, #tpu.memory_space<vmem>>
    %dma_start3A_466 = arith.constant 0 : i32
    %dma_start3A_467 = tpu.memref_slice %arg9[%add3A_14, %dma_start3A_466] : memref<16384x128xf32, #tpu.memory_space<hbm>> -> memref<128x128xf32, #tpu.memory_space<hbm>>
    %dma_start3A_468 = arith.constant 0 : i32
    %dma_start3A_469 = tpu.memref_slice %arg9[%add3A_14, %dma_start3A_468] : memref<16384x128xf32, #tpu.memory_space<hbm>> -> memref<128x128xf32, #tpu.memory_space<hbm>>
    %dma_start3A_470 = arith.constant 640 : i32
    %dma_start3A_471 = arith.constant 0 : i32
    %dma_start3A_472 = tpu.memref_slice %arg13[%dma_start3A_470, %dma_start3A_471] : memref<768x128xf32, #tpu.memory_space<vmem>> -> memref<128x128xf32, #tpu.memory_space<vmem>>
    tpu.enqueue_dma source(%dma_start3A_472 : memref<128x128xf32, #tpu.memory_space<vmem>>) target(%dma_start3A_469 : memref<128x128xf32, #tpu.memory_space<hbm>>) target_semaphore(%arg16 : memref<!tpu.dma_semaphore, #tpu.memory_space<semaphore_mem>>)
    %dma_wait3A_473 = arith.constant 640 : i32
    %dma_wait3A_474 = arith.constant 0 : i32
    %dma_wait3A_475 = tpu.memref_slice %arg13[%dma_wait3A_473, %dma_wait3A_474] : memref<768x128xf32, #tpu.memory_space<vmem>> -> memref<128x128xf32, #tpu.memory_space<vmem>>
    %dma_wait3A_476 = arith.constant 0 : i32
    %dma_wait3A_477 = tpu.memref_slice %arg9[%add3A_14, %dma_wait3A_476] : memref<16384x128xf32, #tpu.memory_space<hbm>> -> memref<128x128xf32, #tpu.memory_space<hbm>>
    %dma_wait3A_478 = arith.constant 0 : i32
    %dma_wait3A_479 = tpu.memref_slice %arg9[%add3A_14, %dma_wait3A_478] : memref<16384x128xf32, #tpu.memory_space<hbm>> -> memref<128x128xf32, #tpu.memory_space<hbm>>
    %dma_wait3A_480 = arith.constant 640 : i32
    %dma_wait3A_481 = arith.constant 0 : i32
    %dma_wait3A_482 = tpu.memref_slice %arg13[%dma_wait3A_480, %dma_wait3A_481] : memref<768x128xf32, #tpu.memory_space<vmem>> -> memref<128x128xf32, #tpu.memory_space<vmem>>
    tpu.wait_dma2 semaphore(%arg16 : memref<!tpu.dma_semaphore, #tpu.memory_space<semaphore_mem>>) src(%dma_wait3A_482 : memref<128x128xf32, #tpu.memory_space<vmem>>) dst(%dma_wait3A_479 : memref<128x128xf32, #tpu.memory_space<hbm>>)
    %dma_start3A_483 = arith.constant 3 : i32
    %dma_start3A_484 = arith.constant 640 : i32
    %dma_start3A_485 = arith.constant 0 : i32
    %dma_start3A_486 = tpu.memref_slice %arg13[%dma_start3A_484, %dma_start3A_485] : memref<768x128xf32, #tpu.memory_space<vmem>> -> memref<128x128xf32, #tpu.memory_space<vmem>>
    %dma_start3A_487 = arith.constant 0 : i32
    %dma_start3A_488 = tpu.memref_slice %arg12[%dma_start3A_483, %dma_start3A_487] : memref<4x128xi32, #tpu.memory_space<vmem>> -> memref<1x128xi32, #tpu.memory_space<vmem>>
    %dma_start3A_489 = tpu.memref_squeeze %dma_start3A_488 : memref<1x128xi32, #tpu.memory_space<vmem>> -> memref<128xi32, #tpu.memory_space<vmem>>
    %dma_start3A_490 = arith.constant 0 : i32
    %dma_start3A_491 = arith.constant 0 : i32
    %dma_start3A_492 = tpu.memref_slice %arg5[%dma_start3A_490, %dma_start3A_491] : memref<100000x128xf32, #tpu.memory_space<hbm>> -> memref<100000x128xf32, #tpu.memory_space<hbm>>
    tpu.enqueue_indirect_dma source(%dma_start3A_492 : memref<100000x128xf32, #tpu.memory_space<hbm>>) target(%dma_start3A_486 : memref<128x128xf32, #tpu.memory_space<vmem>>) offsets(%dma_start3A_489 : memref<128xi32, #tpu.memory_space<vmem>>) semaphore(%arg14 : memref<!tpu.dma_semaphore, #tpu.memory_space<semaphore_mem>>)
    %dma_wait3A_493 = arith.constant 2 : i32
    %dma_wait3A_494 = arith.constant 512 : i32
    %dma_wait3A_495 = arith.constant 0 : i32
    %dma_wait3A_496 = tpu.memref_slice %arg13[%dma_wait3A_494, %dma_wait3A_495] : memref<768x128xf32, #tpu.memory_space<vmem>> -> memref<128x128xf32, #tpu.memory_space<vmem>>
    %dma_wait3A_497 = arith.constant 0 : i32
    %dma_wait3A_498 = tpu.memref_slice %arg12[%dma_wait3A_493, %dma_wait3A_497] : memref<4x128xi32, #tpu.memory_space<vmem>> -> memref<1x128xi32, #tpu.memory_space<vmem>>
    %dma_wait3A_499 = tpu.memref_squeeze %dma_wait3A_498 : memref<1x128xi32, #tpu.memory_space<vmem>> -> memref<128xi32, #tpu.memory_space<vmem>>
    %dma_wait3A_500 = arith.constant 0 : i32
    %dma_wait3A_501 = arith.constant 0 : i32
    %dma_wait3A_502 = tpu.memref_slice %arg5[%dma_wait3A_500, %dma_wait3A_501] : memref<100000x128xf32, #tpu.memory_space<hbm>> -> memref<100000x128xf32, #tpu.memory_space<hbm>>
    tpu.wait_indirect_dma semaphore(%arg14 : memref<!tpu.dma_semaphore, #tpu.memory_space<semaphore_mem>>) src(%dma_wait3A_502 : memref<100000x128xf32, #tpu.memory_space<hbm>>) dst(%dma_wait3A_496 : memref<128x128xf32, #tpu.memory_space<vmem>>)
    %dma_start3A_503 = arith.constant 512 : i32
    %dma_start3A_504 = arith.constant 0 : i32
    %dma_start3A_505 = tpu.memref_slice %arg13[%dma_start3A_503, %dma_start3A_504] : memref<768x128xf32, #tpu.memory_space<vmem>> -> memref<128x128xf32, #tpu.memory_space<vmem>>
    %dma_start3A_506 = arith.constant 0 : i32
    %dma_start3A_507 = tpu.memref_slice %arg9[%add3A_16, %dma_start3A_506] : memref<16384x128xf32, #tpu.memory_space<hbm>> -> memref<128x128xf32, #tpu.memory_space<hbm>>
    %dma_start3A_508 = arith.constant 0 : i32
    %dma_start3A_509 = tpu.memref_slice %arg9[%add3A_16, %dma_start3A_508] : memref<16384x128xf32, #tpu.memory_space<hbm>> -> memref<128x128xf32, #tpu.memory_space<hbm>>
    %dma_start3A_510 = arith.constant 512 : i32
    %dma_start3A_511 = arith.constant 0 : i32
    %dma_start3A_512 = tpu.memref_slice %arg13[%dma_start3A_510, %dma_start3A_511] : memref<768x128xf32, #tpu.memory_space<vmem>> -> memref<128x128xf32, #tpu.memory_space<vmem>>
    tpu.enqueue_dma source(%dma_start3A_512 : memref<128x128xf32, #tpu.memory_space<vmem>>) target(%dma_start3A_509 : memref<128x128xf32, #tpu.memory_space<hbm>>) target_semaphore(%arg16 : memref<!tpu.dma_semaphore, #tpu.memory_space<semaphore_mem>>)
    %dma_wait3A_513 = arith.constant 3 : i32
    %dma_wait3A_514 = arith.constant 256 : i32
    %dma_wait3A_515 = arith.constant 0 : i32
    %dma_wait3A_516 = tpu.memref_slice %arg13[%dma_wait3A_514, %dma_wait3A_515] : memref<768x128xf32, #tpu.memory_space<vmem>> -> memref<128x128xf32, #tpu.memory_space<vmem>>
    %dma_wait3A_517 = arith.constant 0 : i32
    %dma_wait3A_518 = tpu.memref_slice %arg11[%dma_wait3A_513, %dma_wait3A_517] : memref<4x128xi32, #tpu.memory_space<vmem>> -> memref<1x128xi32, #tpu.memory_space<vmem>>
    %dma_wait3A_519 = tpu.memref_squeeze %dma_wait3A_518 : memref<1x128xi32, #tpu.memory_space<vmem>> -> memref<128xi32, #tpu.memory_space<vmem>>
    %dma_wait3A_520 = arith.constant 0 : i32
    %dma_wait3A_521 = arith.constant 0 : i32
    %dma_wait3A_522 = tpu.memref_slice %arg6[%dma_wait3A_520, %dma_wait3A_521] : memref<100000x128xf32, #tpu.memory_space<hbm>> -> memref<100000x128xf32, #tpu.memory_space<hbm>>
    tpu.wait_indirect_dma semaphore(%arg15 : memref<!tpu.dma_semaphore, #tpu.memory_space<semaphore_mem>>) src(%dma_wait3A_522 : memref<100000x128xf32, #tpu.memory_space<hbm>>) dst(%dma_wait3A_516 : memref<128x128xf32, #tpu.memory_space<vmem>>)
    %dma_wait3A_523 = arith.constant 3 : i32
    %dma_wait3A_524 = arith.constant 384 : i32
    %dma_wait3A_525 = arith.constant 0 : i32
    %dma_wait3A_526 = tpu.memref_slice %arg13[%dma_wait3A_524, %dma_wait3A_525] : memref<768x128xf32, #tpu.memory_space<vmem>> -> memref<128x128xf32, #tpu.memory_space<vmem>>
    %dma_wait3A_527 = arith.constant 0 : i32
    %dma_wait3A_528 = tpu.memref_slice %arg12[%dma_wait3A_523, %dma_wait3A_527] : memref<4x128xi32, #tpu.memory_space<vmem>> -> memref<1x128xi32, #tpu.memory_space<vmem>>
    %dma_wait3A_529 = tpu.memref_squeeze %dma_wait3A_528 : memref<1x128xi32, #tpu.memory_space<vmem>> -> memref<128xi32, #tpu.memory_space<vmem>>
    %dma_wait3A_530 = arith.constant 0 : i32
    %dma_wait3A_531 = arith.constant 0 : i32
    %dma_wait3A_532 = tpu.memref_slice %arg7[%dma_wait3A_530, %dma_wait3A_531] : memref<100000x128xf32, #tpu.memory_space<hbm>> -> memref<100000x128xf32, #tpu.memory_space<hbm>>
    tpu.wait_indirect_dma semaphore(%arg15 : memref<!tpu.dma_semaphore, #tpu.memory_space<semaphore_mem>>) src(%dma_wait3A_532 : memref<100000x128xf32, #tpu.memory_space<hbm>>) dst(%dma_wait3A_526 : memref<128x128xf32, #tpu.memory_space<vmem>>)
    %scan3A_533 = arith.constant 0 : i32
    %scan3A_534 = arith.constant 0 : i32
    %scan3A_535 = arith.constant 128 : i32
    %scan3A_536 = arith.addi %scan3A_534, %scan3A_535 : i32
    %scan3A_537 = arith.constant 1 : i32
    %scan3A_538 = scf.for %scan3A_612 = %scan3A_534 to %scan3A_536 step %scan3A_537 iter_args(%scan3A_613 = %scan3A_533) -> (i32)  : i32 {
      %get3A = arith.constant 256 : i32
      %get3A_614 = arith.constant 0 : i32
      %get3A_615 = tpu.memref_slice %arg13[%get3A, %get3A_614] : memref<768x128xf32, #tpu.memory_space<vmem>> -> memref<128x128xf32, #tpu.memory_space<vmem>>
      %get3A_616 = arith.index_cast %scan3A_612 : i32 to index
      %get3A_617 = arith.constant 0 : index
      %get3A_618 = tpu.vector_load %get3A_615[%get3A_616, %get3A_617] {strides = array<i32>} : memref<128x128xf32, #tpu.memory_space<vmem>>, vector<1x16xf32>,
      %get3A_619 = vector.shape_cast %get3A_618 : vector<1x16xf32> to vector<16xf32>
      %get3A_620 = arith.constant 384 : i32
      %get3A_621 = arith.constant 0 : i32
      %get3A_622 = tpu.memref_slice %arg13[%get3A_620, %get3A_621] : memref<768x128xf32, #tpu.memory_space<vmem>> -> memref<128x128xf32, #tpu.memory_space<vmem>>
      %get3A_623 = arith.index_cast %scan3A_612 : i32 to index
      %get3A_624 = arith.constant 0 : index
      %get3A_625 = tpu.vector_load %get3A_622[%get3A_623, %get3A_624] {strides = array<i32>} : memref<128x128xf32, #tpu.memory_space<vmem>>, vector<1x16xf32>,
      %get3A_626 = vector.shape_cast %get3A_625 : vector<1x16xf32> to vector<16xf32>
      %mul3A_627 = arith.mulf %get3A_619, %get3A_626 : vector<16xf32>
      %swap3A = arith.constant 256 : i32
      %swap3A_628 = arith.constant 0 : i32
      %swap3A_629 = tpu.memref_slice %arg13[%swap3A, %swap3A_628] : memref<768x128xf32, #tpu.memory_space<vmem>> -> memref<128x128xf32, #tpu.memory_space<vmem>>
      %swap3A_630 = arith.index_cast %scan3A_612 : i32 to index
      %swap3A_631 = arith.constant 0 : index
      %swap3A_632 = tpu.vector_load %swap3A_629[%swap3A_630, %swap3A_631] {strides = array<i32>} : memref<128x128xf32, #tpu.memory_space<vmem>>, vector<1x16xf32>,
      %swap3A_633 = vector.shape_cast %swap3A_632 : vector<1x16xf32> to vector<16xf32>
      %swap3A_634 = vector.shape_cast %mul3A_627 : vector<16xf32> to vector<1x16xf32>
      tpu.vector_store %swap3A_629[%swap3A_630, %swap3A_631], %swap3A_634 {strides = array<i32>} : memref<128x128xf32, #tpu.memory_space<vmem>>, vector<1x16xf32>,
      %get3A_635 = arith.constant 256 : i32
      %get3A_636 = arith.constant 0 : i32
      %get3A_637 = tpu.memref_slice %arg13[%get3A_635, %get3A_636] : memref<768x128xf32, #tpu.memory_space<vmem>> -> memref<128x128xf32, #tpu.memory_space<vmem>>
      %get3A_638 = arith.index_cast %scan3A_612 : i32 to index
      %get3A_639 = arith.constant 16 : index
      %get3A_640 = tpu.vector_load %get3A_637[%get3A_638, %get3A_639] {strides = array<i32>} : memref<128x128xf32, #tpu.memory_space<vmem>>, vector<1x16xf32>,
      %get3A_641 = vector.shape_cast %get3A_640 : vector<1x16xf32> to vector<16xf32>
      %get3A_642 = arith.constant 384 : i32
      %get3A_643 = arith.constant 0 : i32
      %get3A_644 = tpu.memref_slice %arg13[%get3A_642, %get3A_643] : memref<768x128xf32, #tpu.memory_space<vmem>> -> memref<128x128xf32, #tpu.memory_space<vmem>>
      %get3A_645 = arith.index_cast %scan3A_612 : i32 to index
      %get3A_646 = arith.constant 16 : index
      %get3A_647 = tpu.vector_load %get3A_644[%get3A_645, %get3A_646] {strides = array<i32>} : memref<128x128xf32, #tpu.memory_space<vmem>>, vector<1x16xf32>,
      %get3A_648 = vector.shape_cast %get3A_647 : vector<1x16xf32> to vector<16xf32>
      %mul3A_649 = arith.mulf %get3A_641, %get3A_648 : vector<16xf32>
      %swap3A_650 = arith.constant 256 : i32
      %swap3A_651 = arith.constant 0 : i32
      %swap3A_652 = tpu.memref_slice %arg13[%swap3A_650, %swap3A_651] : memref<768x128xf32, #tpu.memory_space<vmem>> -> memref<128x128xf32, #tpu.memory_space<vmem>>
      %swap3A_653 = arith.index_cast %scan3A_612 : i32 to index
      %swap3A_654 = arith.constant 16 : index
      %swap3A_655 = tpu.vector_load %swap3A_652[%swap3A_653, %swap3A_654] {strides = array<i32>} : memref<128x128xf32, #tpu.memory_space<vmem>>, vector<1x16xf32>,
      %swap3A_656 = vector.shape_cast %swap3A_655 : vector<1x16xf32> to vector<16xf32>
      %swap3A_657 = vector.shape_cast %mul3A_649 : vector<16xf32> to vector<1x16xf32>
      tpu.vector_store %swap3A_652[%swap3A_653, %swap3A_654], %swap3A_657 {strides = array<i32>} : memref<128x128xf32, #tpu.memory_space<vmem>>, vector<1x16xf32>,
      %get3A_658 = arith.constant 256 : i32
      %get3A_659 = arith.constant 0 : i32
      %get3A_660 = tpu.memref_slice %arg13[%get3A_658, %get3A_659] : memref<768x128xf32, #tpu.memory_space<vmem>> -> memref<128x128xf32, #tpu.memory_space<vmem>>
      %get3A_661 = arith.index_cast %scan3A_612 : i32 to index
      %get3A_662 = arith.constant 32 : index
      %get3A_663 = tpu.vector_load %get3A_660[%get3A_661, %get3A_662] {strides = array<i32>} : memref<128x128xf32, #tpu.memory_space<vmem>>, vector<1x16xf32>,
      %get3A_664 = vector.shape_cast %get3A_663 : vector<1x16xf32> to vector<16xf32>
      %get3A_665 = arith.constant 384 : i32
      %get3A_666 = arith.constant 0 : i32
      %get3A_667 = tpu.memref_slice %arg13[%get3A_665, %get3A_666] : memref<768x128xf32, #tpu.memory_space<vmem>> -> memref<128x128xf32, #tpu.memory_space<vmem>>
      %get3A_668 = arith.index_cast %scan3A_612 : i32 to index
      %get3A_669 = arith.constant 32 : index
      %get3A_670 = tpu.vector_load %get3A_667[%get3A_668, %get3A_669] {strides = array<i32>} : memref<128x128xf32, #tpu.memory_space<vmem>>, vector<1x16xf32>,
      %get3A_671 = vector.shape_cast %get3A_670 : vector<1x16xf32> to vector<16xf32>
      %mul3A_672 = arith.mulf %get3A_664, %get3A_671 : vector<16xf32>
      %swap3A_673 = arith.constant 256 : i32
      %swap3A_674 = arith.constant 0 : i32
      %swap3A_675 = tpu.memref_slice %arg13[%swap3A_673, %swap3A_674] : memref<768x128xf32, #tpu.memory_space<vmem>> -> memref<128x128xf32, #tpu.memory_space<vmem>>
      %swap3A_676 = arith.index_cast %scan3A_612 : i32 to index
      %swap3A_677 = arith.constant 32 : index
      %swap3A_678 = tpu.vector_load %swap3A_675[%swap3A_676, %swap3A_677] {strides = array<i32>} : memref<128x128xf32, #tpu.memory_space<vmem>>, vector<1x16xf32>,
      %swap3A_679 = vector.shape_cast %swap3A_678 : vector<1x16xf32> to vector<16xf32>
      %swap3A_680 = vector.shape_cast %mul3A_672 : vector<16xf32> to vector<1x16xf32>
      tpu.vector_store %swap3A_675[%swap3A_676, %swap3A_677], %swap3A_680 {strides = array<i32>} : memref<128x128xf32, #tpu.memory_space<vmem>>, vector<1x16xf32>,
      %get3A_681 = arith.constant 256 : i32
      %get3A_682 = arith.constant 0 : i32
      %get3A_683 = tpu.memref_slice %arg13[%get3A_681, %get3A_682] : memref<768x128xf32, #tpu.memory_space<vmem>> -> memref<128x128xf32, #tpu.memory_space<vmem>>
      %get3A_684 = arith.index_cast %scan3A_612 : i32 to index
      %get3A_685 = arith.constant 48 : index
      %get3A_686 = tpu.vector_load %get3A_683[%get3A_684, %get3A_685] {strides = array<i32>} : memref<128x128xf32, #tpu.memory_space<vmem>>, vector<1x16xf32>,
      %get3A_687 = vector.shape_cast %get3A_686 : vector<1x16xf32> to vector<16xf32>
      %get3A_688 = arith.constant 384 : i32
      %get3A_689 = arith.constant 0 : i32
      %get3A_690 = tpu.memref_slice %arg13[%get3A_688, %get3A_689] : memref<768x128xf32, #tpu.memory_space<vmem>> -> memref<128x128xf32, #tpu.memory_space<vmem>>
      %get3A_691 = arith.index_cast %scan3A_612 : i32 to index
      %get3A_692 = arith.constant 48 : index
      %get3A_693 = tpu.vector_load %get3A_690[%get3A_691, %get3A_692] {strides = array<i32>} : memref<128x128xf32, #tpu.memory_space<vmem>>, vector<1x16xf32>,
      %get3A_694 = vector.shape_cast %get3A_693 : vector<1x16xf32> to vector<16xf32>
      %mul3A_695 = arith.mulf %get3A_687, %get3A_694 : vector<16xf32>
      %swap3A_696 = arith.constant 256 : i32
      %swap3A_697 = arith.constant 0 : i32
      %swap3A_698 = tpu.memref_slice %arg13[%swap3A_696, %swap3A_697] : memref<768x128xf32, #tpu.memory_space<vmem>> -> memref<128x128xf32, #tpu.memory_space<vmem>>
      %swap3A_699 = arith.index_cast %scan3A_612 : i32 to index
      %swap3A_700 = arith.constant 48 : index
      %swap3A_701 = tpu.vector_load %swap3A_698[%swap3A_699, %swap3A_700] {strides = array<i32>} : memref<128x128xf32, #tpu.memory_space<vmem>>, vector<1x16xf32>,
      %swap3A_702 = vector.shape_cast %swap3A_701 : vector<1x16xf32> to vector<16xf32>
      %swap3A_703 = vector.shape_cast %mul3A_695 : vector<16xf32> to vector<1x16xf32>
      tpu.vector_store %swap3A_698[%swap3A_699, %swap3A_700], %swap3A_703 {strides = array<i32>} : memref<128x128xf32, #tpu.memory_space<vmem>>, vector<1x16xf32>,
      %get3A_704 = arith.constant 256 : i32
      %get3A_705 = arith.constant 0 : i32
      %get3A_706 = tpu.memref_slice %arg13[%get3A_704, %get3A_705] : memref<768x128xf32, #tpu.memory_space<vmem>> -> memref<128x128xf32, #tpu.memory_space<vmem>>
      %get3A_707 = arith.index_cast %scan3A_612 : i32 to index
      %get3A_708 = arith.constant 64 : index
      %get3A_709 = tpu.vector_load %get3A_706[%get3A_707, %get3A_708] {strides = array<i32>} : memref<128x128xf32, #tpu.memory_space<vmem>>, vector<1x16xf32>,
      %get3A_710 = vector.shape_cast %get3A_709 : vector<1x16xf32> to vector<16xf32>
      %get3A_711 = arith.constant 384 : i32
      %get3A_712 = arith.constant 0 : i32
      %get3A_713 = tpu.memref_slice %arg13[%get3A_711, %get3A_712] : memref<768x128xf32, #tpu.memory_space<vmem>> -> memref<128x128xf32, #tpu.memory_space<vmem>>
      %get3A_714 = arith.index_cast %scan3A_612 : i32 to index
      %get3A_715 = arith.constant 64 : index
      %get3A_716 = tpu.vector_load %get3A_713[%get3A_714, %get3A_715] {strides = array<i32>} : memref<128x128xf32, #tpu.memory_space<vmem>>, vector<1x16xf32>,
      %get3A_717 = vector.shape_cast %get3A_716 : vector<1x16xf32> to vector<16xf32>
      %mul3A_718 = arith.mulf %get3A_710, %get3A_717 : vector<16xf32>
      %swap3A_719 = arith.constant 256 : i32
      %swap3A_720 = arith.constant 0 : i32
      %swap3A_721 = tpu.memref_slice %arg13[%swap3A_719, %swap3A_720] : memref<768x128xf32, #tpu.memory_space<vmem>> -> memref<128x128xf32, #tpu.memory_space<vmem>>
      %swap3A_722 = arith.index_cast %scan3A_612 : i32 to index
      %swap3A_723 = arith.constant 64 : index
      %swap3A_724 = tpu.vector_load %swap3A_721[%swap3A_722, %swap3A_723] {strides = array<i32>} : memref<128x128xf32, #tpu.memory_space<vmem>>, vector<1x16xf32>,
      %swap3A_725 = vector.shape_cast %swap3A_724 : vector<1x16xf32> to vector<16xf32>
      %swap3A_726 = vector.shape_cast %mul3A_718 : vector<16xf32> to vector<1x16xf32>
      tpu.vector_store %swap3A_721[%swap3A_722, %swap3A_723], %swap3A_726 {strides = array<i32>} : memref<128x128xf32, #tpu.memory_space<vmem>>, vector<1x16xf32>,
      %get3A_727 = arith.constant 256 : i32
      %get3A_728 = arith.constant 0 : i32
      %get3A_729 = tpu.memref_slice %arg13[%get3A_727, %get3A_728] : memref<768x128xf32, #tpu.memory_space<vmem>> -> memref<128x128xf32, #tpu.memory_space<vmem>>
      %get3A_730 = arith.index_cast %scan3A_612 : i32 to index
      %get3A_731 = arith.constant 80 : index
      %get3A_732 = tpu.vector_load %get3A_729[%get3A_730, %get3A_731] {strides = array<i32>} : memref<128x128xf32, #tpu.memory_space<vmem>>, vector<1x16xf32>,
      %get3A_733 = vector.shape_cast %get3A_732 : vector<1x16xf32> to vector<16xf32>
      %get3A_734 = arith.constant 384 : i32
      %get3A_735 = arith.constant 0 : i32
      %get3A_736 = tpu.memref_slice %arg13[%get3A_734, %get3A_735] : memref<768x128xf32, #tpu.memory_space<vmem>> -> memref<128x128xf32, #tpu.memory_space<vmem>>
      %get3A_737 = arith.index_cast %scan3A_612 : i32 to index
      %get3A_738 = arith.constant 80 : index
      %get3A_739 = tpu.vector_load %get3A_736[%get3A_737, %get3A_738] {strides = array<i32>} : memref<128x128xf32, #tpu.memory_space<vmem>>, vector<1x16xf32>,
      %get3A_740 = vector.shape_cast %get3A_739 : vector<1x16xf32> to vector<16xf32>
      %mul3A_741 = arith.mulf %get3A_733, %get3A_740 : vector<16xf32>
      %swap3A_742 = arith.constant 256 : i32
      %swap3A_743 = arith.constant 0 : i32
      %swap3A_744 = tpu.memref_slice %arg13[%swap3A_742, %swap3A_743] : memref<768x128xf32, #tpu.memory_space<vmem>> -> memref<128x128xf32, #tpu.memory_space<vmem>>
      %swap3A_745 = arith.index_cast %scan3A_612 : i32 to index
      %swap3A_746 = arith.constant 80 : index
      %swap3A_747 = tpu.vector_load %swap3A_744[%swap3A_745, %swap3A_746] {strides = array<i32>} : memref<128x128xf32, #tpu.memory_space<vmem>>, vector<1x16xf32>,
      %swap3A_748 = vector.shape_cast %swap3A_747 : vector<1x16xf32> to vector<16xf32>
      %swap3A_749 = vector.shape_cast %mul3A_741 : vector<16xf32> to vector<1x16xf32>
      tpu.vector_store %swap3A_744[%swap3A_745, %swap3A_746], %swap3A_749 {strides = array<i32>} : memref<128x128xf32, #tpu.memory_space<vmem>>, vector<1x16xf32>,
      %get3A_750 = arith.constant 256 : i32
      %get3A_751 = arith.constant 0 : i32
      %get3A_752 = tpu.memref_slice %arg13[%get3A_750, %get3A_751] : memref<768x128xf32, #tpu.memory_space<vmem>> -> memref<128x128xf32, #tpu.memory_space<vmem>>
      %get3A_753 = arith.index_cast %scan3A_612 : i32 to index
      %get3A_754 = arith.constant 96 : index
      %get3A_755 = tpu.vector_load %get3A_752[%get3A_753, %get3A_754] {strides = array<i32>} : memref<128x128xf32, #tpu.memory_space<vmem>>, vector<1x16xf32>,
      %get3A_756 = vector.shape_cast %get3A_755 : vector<1x16xf32> to vector<16xf32>
      %get3A_757 = arith.constant 384 : i32
      %get3A_758 = arith.constant 0 : i32
      %get3A_759 = tpu.memref_slice %arg13[%get3A_757, %get3A_758] : memref<768x128xf32, #tpu.memory_space<vmem>> -> memref<128x128xf32, #tpu.memory_space<vmem>>
      %get3A_760 = arith.index_cast %scan3A_612 : i32 to index
      %get3A_761 = arith.constant 96 : index
      %get3A_762 = tpu.vector_load %get3A_759[%get3A_760, %get3A_761] {strides = array<i32>} : memref<128x128xf32, #tpu.memory_space<vmem>>, vector<1x16xf32>,
      %get3A_763 = vector.shape_cast %get3A_762 : vector<1x16xf32> to vector<16xf32>
      %mul3A_764 = arith.mulf %get3A_756, %get3A_763 : vector<16xf32>
      %swap3A_765 = arith.constant 256 : i32
      %swap3A_766 = arith.constant 0 : i32
      %swap3A_767 = tpu.memref_slice %arg13[%swap3A_765, %swap3A_766] : memref<768x128xf32, #tpu.memory_space<vmem>> -> memref<128x128xf32, #tpu.memory_space<vmem>>
      %swap3A_768 = arith.index_cast %scan3A_612 : i32 to index
      %swap3A_769 = arith.constant 96 : index
      %swap3A_770 = tpu.vector_load %swap3A_767[%swap3A_768, %swap3A_769] {strides = array<i32>} : memref<128x128xf32, #tpu.memory_space<vmem>>, vector<1x16xf32>,
      %swap3A_771 = vector.shape_cast %swap3A_770 : vector<1x16xf32> to vector<16xf32>
      %swap3A_772 = vector.shape_cast %mul3A_764 : vector<16xf32> to vector<1x16xf32>
      tpu.vector_store %swap3A_767[%swap3A_768, %swap3A_769], %swap3A_772 {strides = array<i32>} : memref<128x128xf32, #tpu.memory_space<vmem>>, vector<1x16xf32>,
      %get3A_773 = arith.constant 256 : i32
      %get3A_774 = arith.constant 0 : i32
      %get3A_775 = tpu.memref_slice %arg13[%get3A_773, %get3A_774] : memref<768x128xf32, #tpu.memory_space<vmem>> -> memref<128x128xf32, #tpu.memory_space<vmem>>
      %get3A_776 = arith.index_cast %scan3A_612 : i32 to index
      %get3A_777 = arith.constant 112 : index
      %get3A_778 = tpu.vector_load %get3A_775[%get3A_776, %get3A_777] {strides = array<i32>} : memref<128x128xf32, #tpu.memory_space<vmem>>, vector<1x16xf32>,
      %get3A_779 = vector.shape_cast %get3A_778 : vector<1x16xf32> to vector<16xf32>
      %get3A_780 = arith.constant 384 : i32
      %get3A_781 = arith.constant 0 : i32
      %get3A_782 = tpu.memref_slice %arg13[%get3A_780, %get3A_781] : memref<768x128xf32, #tpu.memory_space<vmem>> -> memref<128x128xf32, #tpu.memory_space<vmem>>
      %get3A_783 = arith.index_cast %scan3A_612 : i32 to index
      %get3A_784 = arith.constant 112 : index
      %get3A_785 = tpu.vector_load %get3A_782[%get3A_783, %get3A_784] {strides = array<i32>} : memref<128x128xf32, #tpu.memory_space<vmem>>, vector<1x16xf32>,
      %get3A_786 = vector.shape_cast %get3A_785 : vector<1x16xf32> to vector<16xf32>
      %mul3A_787 = arith.mulf %get3A_779, %get3A_786 : vector<16xf32>
      %swap3A_788 = arith.constant 256 : i32
      %swap3A_789 = arith.constant 0 : i32
      %swap3A_790 = tpu.memref_slice %arg13[%swap3A_788, %swap3A_789] : memref<768x128xf32, #tpu.memory_space<vmem>> -> memref<128x128xf32, #tpu.memory_space<vmem>>
      %swap3A_791 = arith.index_cast %scan3A_612 : i32 to index
      %swap3A_792 = arith.constant 112 : index
      %swap3A_793 = tpu.vector_load %swap3A_790[%swap3A_791, %swap3A_792] {strides = array<i32>} : memref<128x128xf32, #tpu.memory_space<vmem>>, vector<1x16xf32>,
      %swap3A_794 = vector.shape_cast %swap3A_793 : vector<1x16xf32> to vector<16xf32>
      %swap3A_795 = vector.shape_cast %mul3A_787 : vector<16xf32> to vector<1x16xf32>
      tpu.vector_store %swap3A_790[%swap3A_791, %swap3A_792], %swap3A_795 {strides = array<i32>} : memref<128x128xf32, #tpu.memory_space<vmem>>, vector<1x16xf32>,
      %scan3A_796 = arith.constant 0 : i32
      scf.yield %scan3A_796 : i32
    }
    %scan3A_539 = arith.constant 128 : i32
    %add3A_540 = arith.constant 384 : i32
    %add3A_541 = arith.addi %mul3A_2, %add3A_540 : i32
    %dma_start3A_542 = arith.constant 256 : i32
    %dma_start3A_543 = arith.constant 0 : i32
    %dma_start3A_544 = tpu.memref_slice %arg13[%dma_start3A_542, %dma_start3A_543] : memref<768x128xf32, #tpu.memory_space<vmem>> -> memref<128x128xf32, #tpu.memory_space<vmem>>
    %dma_start3A_545 = arith.constant 0 : i32
    %dma_start3A_546 = tpu.memref_slice %arg10[%add3A_541, %dma_start3A_545] : memref<16384x128xf32, #tpu.memory_space<hbm>> -> memref<128x128xf32, #tpu.memory_space<hbm>>
    %dma_start3A_547 = arith.constant 0 : i32
    %dma_start3A_548 = tpu.memref_slice %arg10[%add3A_541, %dma_start3A_547] : memref<16384x128xf32, #tpu.memory_space<hbm>> -> memref<128x128xf32, #tpu.memory_space<hbm>>
    %dma_start3A_549 = arith.constant 256 : i32
    %dma_start3A_550 = arith.constant 0 : i32
    %dma_start3A_551 = tpu.memref_slice %arg13[%dma_start3A_549, %dma_start3A_550] : memref<768x128xf32, #tpu.memory_space<vmem>> -> memref<128x128xf32, #tpu.memory_space<vmem>>
    tpu.enqueue_dma source(%dma_start3A_551 : memref<128x128xf32, #tpu.memory_space<vmem>>) target(%dma_start3A_548 : memref<128x128xf32, #tpu.memory_space<hbm>>) target_semaphore(%arg17 : memref<!tpu.dma_semaphore, #tpu.memory_space<semaphore_mem>>)
    %dma_wait3A_552 = arith.constant 3 : i32
    %dma_wait3A_553 = arith.constant 640 : i32
    %dma_wait3A_554 = arith.constant 0 : i32
    %dma_wait3A_555 = tpu.memref_slice %arg13[%dma_wait3A_553, %dma_wait3A_554] : memref<768x128xf32, #tpu.memory_space<vmem>> -> memref<128x128xf32, #tpu.memory_space<vmem>>
    %dma_wait3A_556 = arith.constant 0 : i32
    %dma_wait3A_557 = tpu.memref_slice %arg12[%dma_wait3A_552, %dma_wait3A_556] : memref<4x128xi32, #tpu.memory_space<vmem>> -> memref<1x128xi32, #tpu.memory_space<vmem>>
    %dma_wait3A_558 = tpu.memref_squeeze %dma_wait3A_557 : memref<1x128xi32, #tpu.memory_space<vmem>> -> memref<128xi32, #tpu.memory_space<vmem>>
    %dma_wait3A_559 = arith.constant 0 : i32
    %dma_wait3A_560 = arith.constant 0 : i32
    %dma_wait3A_561 = tpu.memref_slice %arg5[%dma_wait3A_559, %dma_wait3A_560] : memref<100000x128xf32, #tpu.memory_space<hbm>> -> memref<100000x128xf32, #tpu.memory_space<hbm>>
    tpu.wait_indirect_dma semaphore(%arg14 : memref<!tpu.dma_semaphore, #tpu.memory_space<semaphore_mem>>) src(%dma_wait3A_561 : memref<100000x128xf32, #tpu.memory_space<hbm>>) dst(%dma_wait3A_555 : memref<128x128xf32, #tpu.memory_space<vmem>>)
    %dma_start3A_562 = arith.constant 640 : i32
    %dma_start3A_563 = arith.constant 0 : i32
    %dma_start3A_564 = tpu.memref_slice %arg13[%dma_start3A_562, %dma_start3A_563] : memref<768x128xf32, #tpu.memory_space<vmem>> -> memref<128x128xf32, #tpu.memory_space<vmem>>
    %dma_start3A_565 = arith.constant 0 : i32
    %dma_start3A_566 = tpu.memref_slice %arg9[%add3A_18, %dma_start3A_565] : memref<16384x128xf32, #tpu.memory_space<hbm>> -> memref<128x128xf32, #tpu.memory_space<hbm>>
    %dma_start3A_567 = arith.constant 0 : i32
    %dma_start3A_568 = tpu.memref_slice %arg9[%add3A_18, %dma_start3A_567] : memref<16384x128xf32, #tpu.memory_space<hbm>> -> memref<128x128xf32, #tpu.memory_space<hbm>>
    %dma_start3A_569 = arith.constant 640 : i32
    %dma_start3A_570 = arith.constant 0 : i32
    %dma_start3A_571 = tpu.memref_slice %arg13[%dma_start3A_569, %dma_start3A_570] : memref<768x128xf32, #tpu.memory_space<vmem>> -> memref<128x128xf32, #tpu.memory_space<vmem>>
    tpu.enqueue_dma source(%dma_start3A_571 : memref<128x128xf32, #tpu.memory_space<vmem>>) target(%dma_start3A_568 : memref<128x128xf32, #tpu.memory_space<hbm>>) target_semaphore(%arg16 : memref<!tpu.dma_semaphore, #tpu.memory_space<semaphore_mem>>)
    %dma_wait3A_572 = arith.constant 512 : i32
    %dma_wait3A_573 = arith.constant 0 : i32
    %dma_wait3A_574 = tpu.memref_slice %arg13[%dma_wait3A_572, %dma_wait3A_573] : memref<768x128xf32, #tpu.memory_space<vmem>> -> memref<128x128xf32, #tpu.memory_space<vmem>>
    %dma_wait3A_575 = arith.constant 0 : i32
    %dma_wait3A_576 = tpu.memref_slice %arg9[%add3A_16, %dma_wait3A_575] : memref<16384x128xf32, #tpu.memory_space<hbm>> -> memref<128x128xf32, #tpu.memory_space<hbm>>
    %dma_wait3A_577 = arith.constant 0 : i32
    %dma_wait3A_578 = tpu.memref_slice %arg9[%add3A_16, %dma_wait3A_577] : memref<16384x128xf32, #tpu.memory_space<hbm>> -> memref<128x128xf32, #tpu.memory_space<hbm>>
    %dma_wait3A_579 = arith.constant 512 : i32
    %dma_wait3A_580 = arith.constant 0 : i32
    %dma_wait3A_581 = tpu.memref_slice %arg13[%dma_wait3A_579, %dma_wait3A_580] : memref<768x128xf32, #tpu.memory_space<vmem>> -> memref<128x128xf32, #tpu.memory_space<vmem>>
    tpu.wait_dma2 semaphore(%arg16 : memref<!tpu.dma_semaphore, #tpu.memory_space<semaphore_mem>>) src(%dma_wait3A_581 : memref<128x128xf32, #tpu.memory_space<vmem>>) dst(%dma_wait3A_578 : memref<128x128xf32, #tpu.memory_space<hbm>>)
    %dma_wait3A_582 = arith.constant 640 : i32
    %dma_wait3A_583 = arith.constant 0 : i32
    %dma_wait3A_584 = tpu.memref_slice %arg13[%dma_wait3A_582, %dma_wait3A_583] : memref<768x128xf32, #tpu.memory_space<vmem>> -> memref<128x128xf32, #tpu.memory_space<vmem>>
    %dma_wait3A_585 = arith.constant 0 : i32
    %dma_wait3A_586 = tpu.memref_slice %arg9[%add3A_18, %dma_wait3A_585] : memref<16384x128xf32, #tpu.memory_space<hbm>> -> memref<128x128xf32, #tpu.memory_space<hbm>>
    %dma_wait3A_587 = arith.constant 0 : i32
    %dma_wait3A_588 = tpu.memref_slice %arg9[%add3A_18, %dma_wait3A_587] : memref<16384x128xf32, #tpu.memory_space<hbm>> -> memref<128x128xf32, #tpu.memory_space<hbm>>
    %dma_wait3A_589 = arith.constant 640 : i32
    %dma_wait3A_590 = arith.constant 0 : i32
    %dma_wait3A_591 = tpu.memref_slice %arg13[%dma_wait3A_589, %dma_wait3A_590] : memref<768x128xf32, #tpu.memory_space<vmem>> -> memref<128x128xf32, #tpu.memory_space<vmem>>
    tpu.wait_dma2 semaphore(%arg16 : memref<!tpu.dma_semaphore, #tpu.memory_space<semaphore_mem>>) src(%dma_wait3A_591 : memref<128x128xf32, #tpu.memory_space<vmem>>) dst(%dma_wait3A_588 : memref<128x128xf32, #tpu.memory_space<hbm>>)
    %dma_wait3A_592 = arith.constant 0 : i32
    %dma_wait3A_593 = arith.constant 0 : i32
    %dma_wait3A_594 = tpu.memref_slice %arg13[%dma_wait3A_592, %dma_wait3A_593] : memref<768x128xf32, #tpu.memory_space<vmem>> -> memref<128x128xf32, #tpu.memory_space<vmem>>
    %dma_wait3A_595 = arith.constant 0 : i32
    %dma_wait3A_596 = tpu.memref_slice %arg10[%add3A_422, %dma_wait3A_595] : memref<16384x128xf32, #tpu.memory_space<hbm>> -> memref<128x128xf32, #tpu.memory_space<hbm>>
    %dma_wait3A_597 = arith.constant 0 : i32
    %dma_wait3A_598 = tpu.memref_slice %arg10[%add3A_422, %dma_wait3A_597] : memref<16384x128xf32, #tpu.memory_space<hbm>> -> memref<128x128xf32, #tpu.memory_space<hbm>>
    %dma_wait3A_599 = arith.constant 0 : i32
    %dma_wait3A_600 = arith.constant 0 : i32
    %dma_wait3A_601 = tpu.memref_slice %arg13[%dma_wait3A_599, %dma_wait3A_600] : memref<768x128xf32, #tpu.memory_space<vmem>> -> memref<128x128xf32, #tpu.memory_space<vmem>>
    tpu.wait_dma2 semaphore(%arg17 : memref<!tpu.dma_semaphore, #tpu.memory_space<semaphore_mem>>) src(%dma_wait3A_601 : memref<128x128xf32, #tpu.memory_space<vmem>>) dst(%dma_wait3A_598 : memref<128x128xf32, #tpu.memory_space<hbm>>)
    %dma_wait3A_602 = arith.constant 256 : i32
    %dma_wait3A_603 = arith.constant 0 : i32
    %dma_wait3A_604 = tpu.memref_slice %arg13[%dma_wait3A_602, %dma_wait3A_603] : memref<768x128xf32, #tpu.memory_space<vmem>> -> memref<128x128xf32, #tpu.memory_space<vmem>>
    %dma_wait3A_605 = arith.constant 0 : i32
    %dma_wait3A_606 = tpu.memref_slice %arg10[%add3A_541, %dma_wait3A_605] : memref<16384x128xf32, #tpu.memory_space<hbm>> -> memref<128x128xf32, #tpu.memory_space<hbm>>
    %dma_wait3A_607 = arith.constant 0 : i32
    %dma_wait3A_608 = tpu.memref_slice %arg10[%add3A_541, %dma_wait3A_607] : memref<16384x128xf32, #tpu.memory_space<hbm>> -> memref<128x128xf32, #tpu.memory_space<hbm>>
    %dma_wait3A_609 = arith.constant 256 : i32
    %dma_wait3A_610 = arith.constant 0 : i32
    %dma_wait3A_611 = tpu.memref_slice %arg13[%dma_wait3A_609, %dma_wait3A_610] : memref<768x128xf32, #tpu.memory_space<vmem>> -> memref<128x128xf32, #tpu.memory_space<vmem>>
    tpu.wait_dma2 semaphore(%arg17 : memref<!tpu.dma_semaphore, #tpu.memory_space<semaphore_mem>>) src(%dma_wait3A_611 : memref<128x128xf32, #tpu.memory_space<vmem>>) dst(%dma_wait3A_608 : memref<128x128xf32, #tpu.memory_space<hbm>>)
    return
  }
}

module attributes {stable_mosaic.version = 14 : i64} {
  func.func @_tc_body(%arg0: i32, %arg1: memref<8192x128xf32, #tpu.memory_space<vmem>>, %arg2: memref<8192x128xf32, #tpu.memory_space<vmem>>, %arg3: memref<8192x128xf32, #tpu.memory_space<vmem>>, %arg4: memref<128x64xf32, #tpu.memory_space<vmem>>, %arg5: memref<128x64xf32, #tpu.memory_space<vmem>>, %arg6: memref<1x64xf32, #tpu.memory_space<vmem>>, %arg7: memref<64x16xf32, #tpu.memory_space<vmem>>, %arg8: memref<1x16xf32, #tpu.memory_space<vmem>>, %arg9: memref<16x8xf32, #tpu.memory_space<vmem>>, %arg10: memref<1x8xf32, #tpu.memory_space<vmem>>, %arg11: memref<128x1xf32, #tpu.memory_space<vmem>>, %arg12: memref<8x1xf32, #tpu.memory_space<vmem>>, %arg13: memref<1x1xf32, #tpu.memory_space<vmem>>, %arg14: memref<8192x1xf32, #tpu.memory_space<vmem>>) attributes {dimension_semantics = [#tpu.dimension_semantics<arbitrary>], iteration_bounds = array<i64: 2>, scalar_prefetch = 0 : i64, scratch_operands = 0 : i64, tpu.core_type = #tpu.core_type<tc>, window_params = [{transform_indices = @transform_0, window_bounds = array<i64: 8192, 128>}, {transform_indices = @transform_1, window_bounds = array<i64: 8192, 128>}, {transform_indices = @transform_2, window_bounds = array<i64: 8192, 128>}, {pipeline_mode = #tpu.pipeline_mode<synchronous>, transform_indices = @transform_3, window_bounds = array<i64: 128, 64>}, {pipeline_mode = #tpu.pipeline_mode<synchronous>, transform_indices = @transform_4, window_bounds = array<i64: 128, 64>}, {pipeline_mode = #tpu.pipeline_mode<synchronous>, transform_indices = @transform_5, window_bounds = array<i64: 1, 64>}, {pipeline_mode = #tpu.pipeline_mode<synchronous>, transform_indices = @transform_6, window_bounds = array<i64: 64, 16>}, {pipeline_mode = #tpu.pipeline_mode<synchronous>, transform_indices = @transform_7, window_bounds = array<i64: 1, 16>}, {pipeline_mode = #tpu.pipeline_mode<synchronous>, transform_indices = @transform_8, window_bounds = array<i64: 16, 8>}, {pipeline_mode = #tpu.pipeline_mode<synchronous>, transform_indices = @transform_9, window_bounds = array<i64: 1, 8>}, {pipeline_mode = #tpu.pipeline_mode<synchronous>, transform_indices = @transform_10, window_bounds = array<i64: 128, 1>}, {pipeline_mode = #tpu.pipeline_mode<synchronous>, transform_indices = @transform_11, window_bounds = array<i64: 8, 1>}, {pipeline_mode = #tpu.pipeline_mode<synchronous>, transform_indices = @transform_12, window_bounds = array<i64: 1, 1>}, {transform_indices = @transform_13, window_bounds = array<i64: 8192, 1>}]} {
    %get3A = arith.constant 0 : index
    %get3A_0 = arith.constant 0 : index
    %get3A_1 = vector.load %arg1[%get3A, %get3A_0] : memref<8192x128xf32, #tpu.memory_space<vmem>>, vector<8192x128xf32>
    %get3A_2 = arith.constant 0 : index
    %get3A_3 = arith.constant 0 : index
    %get3A_4 = vector.load %arg4[%get3A_2, %get3A_3] : memref<128x64xf32, #tpu.memory_space<vmem>>, vector<128x64xf32>
    %dot_general3A = arith.constant dense<0.000000e+00> : vector<8192x64xf32>
    %dot_general3A_5 = tpu.matmul %get3A_1, %get3A_4, %dot_general3A {dimension_numbers = #tpu.dot_dimension_numbers<[1], [0], [0], [1], [0, 0, 1, 1], [], []>, transpose_lhs_hint = false} : vector<8192x128xf32>, vector<128x64xf32>, vector<8192x64xf32> -> vector<8192x64xf32>
    %get3A_6 = arith.constant 0 : index
    %get3A_7 = arith.constant 0 : index
    %get3A_8 = vector.load %arg2[%get3A_6, %get3A_7] : memref<8192x128xf32, #tpu.memory_space<vmem>>, vector<8192x128xf32>
    %get3A_9 = arith.constant 0 : index
    %get3A_10 = arith.constant 0 : index
    %get3A_11 = vector.load %arg5[%get3A_9, %get3A_10] : memref<128x64xf32, #tpu.memory_space<vmem>>, vector<128x64xf32>
    %dot_general3A_12 = arith.constant dense<0.000000e+00> : vector<8192x64xf32>
    %dot_general3A_13 = tpu.matmul %get3A_8, %get3A_11, %dot_general3A_12 {dimension_numbers = #tpu.dot_dimension_numbers<[1], [0], [0], [1], [0, 0, 1, 1], [], []>, transpose_lhs_hint = false} : vector<8192x128xf32>, vector<128x64xf32>, vector<8192x64xf32> -> vector<8192x64xf32>
    %add3A = arith.addf %dot_general3A_5, %dot_general3A_13 : vector<8192x64xf32>
    %get3A_14 = arith.constant 0 : index
    %get3A_15 = arith.constant 0 : index
    %get3A_16 = vector.load %arg6[%get3A_14, %get3A_15] : memref<1x64xf32, #tpu.memory_space<vmem>>, vector<1x64xf32>
    %add3A_17 = vector.broadcast %get3A_16 : vector<1x64xf32> to vector<8192x64xf32>
    %add3A_18 = arith.addf %add3A, %add3A_17 : vector<8192x64xf32>
    %max3A = arith.constant 0.000000e+00 : f32
    %max3A_19 = vector.broadcast %max3A : f32 to vector<8192x64xf32>
    %max3A_20 = arith.maximumf %add3A_18, %max3A_19 : vector<8192x64xf32>
    %get3A_21 = arith.constant 0 : index
    %get3A_22 = arith.constant 0 : index
    %get3A_23 = vector.load %arg7[%get3A_21, %get3A_22] : memref<64x16xf32, #tpu.memory_space<vmem>>, vector<64x16xf32>
    %dot_general3A_24 = arith.constant dense<0.000000e+00> : vector<8192x16xf32>
    %dot_general3A_25 = tpu.matmul %max3A_20, %get3A_23, %dot_general3A_24 {dimension_numbers = #tpu.dot_dimension_numbers<[1], [0], [0], [1], [0, 0, 1, 1], [], []>, transpose_lhs_hint = false} : vector<8192x64xf32>, vector<64x16xf32>, vector<8192x16xf32> -> vector<8192x16xf32>
    %get3A_26 = arith.constant 0 : index
    %get3A_27 = arith.constant 0 : index
    %get3A_28 = vector.load %arg8[%get3A_26, %get3A_27] : memref<1x16xf32, #tpu.memory_space<vmem>>, vector<1x16xf32>
    %add3A_29 = vector.broadcast %get3A_28 : vector<1x16xf32> to vector<8192x16xf32>
    %add3A_30 = arith.addf %dot_general3A_25, %add3A_29 : vector<8192x16xf32>
    %max3A_31 = arith.constant 0.000000e+00 : f32
    %max3A_32 = vector.broadcast %max3A_31 : f32 to vector<8192x16xf32>
    %max3A_33 = arith.maximumf %add3A_30, %max3A_32 : vector<8192x16xf32>
    %get3A_34 = arith.constant 0 : index
    %get3A_35 = arith.constant 0 : index
    %get3A_36 = vector.load %arg9[%get3A_34, %get3A_35] : memref<16x8xf32, #tpu.memory_space<vmem>>, vector<16x8xf32>
    %dot_general3A_37 = arith.constant dense<0.000000e+00> : vector<8192x8xf32>
    %dot_general3A_38 = tpu.matmul %max3A_33, %get3A_36, %dot_general3A_37 {dimension_numbers = #tpu.dot_dimension_numbers<[1], [0], [0], [1], [0, 0, 1, 1], [], []>, transpose_lhs_hint = false} : vector<8192x16xf32>, vector<16x8xf32>, vector<8192x8xf32> -> vector<8192x8xf32>
    %get3A_39 = arith.constant 0 : index
    %get3A_40 = arith.constant 0 : index
    %get3A_41 = vector.load %arg10[%get3A_39, %get3A_40] : memref<1x8xf32, #tpu.memory_space<vmem>>, vector<1x8xf32>
    %add3A_42 = vector.broadcast %get3A_41 : vector<1x8xf32> to vector<8192x8xf32>
    %add3A_43 = arith.addf %dot_general3A_38, %add3A_42 : vector<8192x8xf32>
    %max3A_44 = arith.constant 0.000000e+00 : f32
    %max3A_45 = vector.broadcast %max3A_44 : f32 to vector<8192x8xf32>
    %max3A_46 = arith.maximumf %add3A_43, %max3A_45 : vector<8192x8xf32>
    %get3A_47 = arith.constant 0 : index
    %get3A_48 = arith.constant 0 : index
    %get3A_49 = vector.load %arg3[%get3A_47, %get3A_48] : memref<8192x128xf32, #tpu.memory_space<vmem>>, vector<8192x128xf32>
    %get3A_50 = arith.constant 0 : index
    %get3A_51 = arith.constant 0 : index
    %get3A_52 = vector.load %arg11[%get3A_50, %get3A_51] : memref<128x1xf32, #tpu.memory_space<vmem>>, vector<128x1xf32>
    %dot_general3A_53 = arith.constant dense<0.000000e+00> : vector<8192x1xf32>
    %dot_general3A_54 = tpu.matmul %get3A_49, %get3A_52, %dot_general3A_53 {dimension_numbers = #tpu.dot_dimension_numbers<[1], [0], [0], [1], [0, 0, 1, 1], [], []>, transpose_lhs_hint = false} : vector<8192x128xf32>, vector<128x1xf32>, vector<8192x1xf32> -> vector<8192x1xf32>
    %get3A_55 = arith.constant 0 : index
    %get3A_56 = arith.constant 0 : index
    %get3A_57 = vector.load %arg12[%get3A_55, %get3A_56] : memref<8x1xf32, #tpu.memory_space<vmem>>, vector<8x1xf32>
    %dot_general3A_58 = arith.constant dense<0.000000e+00> : vector<8192x1xf32>
    %dot_general3A_59 = tpu.matmul %max3A_46, %get3A_57, %dot_general3A_58 {dimension_numbers = #tpu.dot_dimension_numbers<[1], [0], [0], [1], [0, 0, 1, 1], [], []>, transpose_lhs_hint = false} : vector<8192x8xf32>, vector<8x1xf32>, vector<8192x1xf32> -> vector<8192x1xf32>
    %add3A_60 = arith.addf %dot_general3A_54, %dot_general3A_59 : vector<8192x1xf32>
    %get3A_61 = arith.constant 0 : index
    %get3A_62 = arith.constant 0 : index
    %get3A_63 = vector.load %arg13[%get3A_61, %get3A_62] : memref<1x1xf32, #tpu.memory_space<vmem>>, vector<1x1xf32>
    %add3A_64 = vector.broadcast %get3A_63 : vector<1x1xf32> to vector<8192x1xf32>
    %add3A_65 = arith.addf %add3A_60, %add3A_64 : vector<8192x1xf32>
    %swap3A = arith.constant 0 : index
    %swap3A_66 = arith.constant 0 : index
    %swap3A_67 = vector.load %arg14[%swap3A, %swap3A_66] : memref<8192x1xf32, #tpu.memory_space<vmem>>, vector<8192x1xf32>
    tpu.vector_store %arg14[%swap3A, %swap3A_66], %add3A_65 {strides = array<i32>} : memref<8192x1xf32, #tpu.memory_space<vmem>>, vector<8192x1xf32>,
    return
  }
  func.func @transform_0(%arg0: i32) -> (i32, i32) {
    %c0_i32 = arith.constant 0 : i32
    %c0_i32_0 = arith.constant 0 : i32
    return %arg0, %c0_i32 : i32, i32
  }
  func.func @transform_1(%arg0: i32) -> (i32, i32) {
    %c0_i32 = arith.constant 0 : i32
    %c0_i32_0 = arith.constant 0 : i32
    return %arg0, %c0_i32 : i32, i32
  }
  func.func @transform_2(%arg0: i32) -> (i32, i32) {
    %c0_i32 = arith.constant 0 : i32
    %c0_i32_0 = arith.constant 0 : i32
    return %arg0, %c0_i32 : i32, i32
  }
  func.func @transform_3(%arg0: i32) -> (i32, i32) {
    %c0_i32 = arith.constant 0 : i32
    %c0_i32_0 = arith.constant 0 : i32
    %c0_i32_1 = arith.constant 0 : i32
    return %c0_i32, %c0_i32_0 : i32, i32
  }
  func.func @transform_4(%arg0: i32) -> (i32, i32) {
    %c0_i32 = arith.constant 0 : i32
    %c0_i32_0 = arith.constant 0 : i32
    %c0_i32_1 = arith.constant 0 : i32
    return %c0_i32, %c0_i32_0 : i32, i32
  }
  func.func @transform_5(%arg0: i32) -> (i32, i32) {
    %c0_i32 = arith.constant 0 : i32
    %c0_i32_0 = arith.constant 0 : i32
    %c0_i32_1 = arith.constant 0 : i32
    return %c0_i32, %c0_i32_0 : i32, i32
  }
  func.func @transform_6(%arg0: i32) -> (i32, i32) {
    %c0_i32 = arith.constant 0 : i32
    %c0_i32_0 = arith.constant 0 : i32
    %c0_i32_1 = arith.constant 0 : i32
    return %c0_i32, %c0_i32_0 : i32, i32
  }
  func.func @transform_7(%arg0: i32) -> (i32, i32) {
    %c0_i32 = arith.constant 0 : i32
    %c0_i32_0 = arith.constant 0 : i32
    %c0_i32_1 = arith.constant 0 : i32
    return %c0_i32, %c0_i32_0 : i32, i32
  }
  func.func @transform_8(%arg0: i32) -> (i32, i32) {
    %c0_i32 = arith.constant 0 : i32
    %c0_i32_0 = arith.constant 0 : i32
    %c0_i32_1 = arith.constant 0 : i32
    return %c0_i32, %c0_i32_0 : i32, i32
  }
  func.func @transform_9(%arg0: i32) -> (i32, i32) {
    %c0_i32 = arith.constant 0 : i32
    %c0_i32_0 = arith.constant 0 : i32
    %c0_i32_1 = arith.constant 0 : i32
    return %c0_i32, %c0_i32_0 : i32, i32
  }
  func.func @transform_10(%arg0: i32) -> (i32, i32) {
    %c0_i32 = arith.constant 0 : i32
    %c0_i32_0 = arith.constant 0 : i32
    %c0_i32_1 = arith.constant 0 : i32
    return %c0_i32, %c0_i32_0 : i32, i32
  }
  func.func @transform_11(%arg0: i32) -> (i32, i32) {
    %c0_i32 = arith.constant 0 : i32
    %c0_i32_0 = arith.constant 0 : i32
    %c0_i32_1 = arith.constant 0 : i32
    return %c0_i32, %c0_i32_0 : i32, i32
  }
  func.func @transform_12(%arg0: i32) -> (i32, i32) {
    %c0_i32 = arith.constant 0 : i32
    %c0_i32_0 = arith.constant 0 : i32
    %c0_i32_1 = arith.constant 0 : i32
    return %c0_i32, %c0_i32_0 : i32, i32
  }
  func.func @transform_13(%arg0: i32) -> (i32, i32) {
    %c0_i32 = arith.constant 0 : i32
    %c0_i32_0 = arith.constant 0 : i32
    return %arg0, %c0_i32 : i32, i32
  }
}

</mosaic_0001>

<sc_bundles>
// kernel: kernel.4.cloned.1.call-start
scs
__scs_entry_jumppad:
0x0: {  	(pc) =	sbr.rel $0x88, $3  }
0x1: {  	(tag) =	ssettag $0x0;
	lr =	simm.s32 $0x1  }
0x2: {  	[smem:$0x3F94] =	sst lr;
	_ =	strace $0xD0000000  }
0x3: {  	_ = 	snop  }
0x4: {  	_ = 	snop  }
0x5: {  	_ = 	snop  }
0x6: {  	_ = 	snop  }
0x7: {  	_ = 	snop  }
__scs_overlays_trampoline_lowered:
0x8: {  	[smem:$0x3FA3] =	sst s0  }
0x9: {  	[smem:$0x3FA4] =	sst s1  }
0xa: {  	[smem:$0x3FA5] =	sst s2  }
0xb: {  	[smem:$0x3FA6] =	sst s3  }
0xc: {  	[smem:$0x3FA7] =	sst s4  }
0xd: {  	[smem:$0x3FA8] =	sst s5  }
0xe: {  	[smem:$0x3FA9] =	sst s6  }
0xf: {  	[smem:$0x3FAA] =	sst s7  }
0x10: {  	[smem:$0x3FAB] =	sst s8  }
0x11: {  	[smem:$0x3FAC] =	sst s9;
	s0 =	simm.s32 @!p0 $0x0  }
0x12: {  	s1 =	sld [smem:$0x3F92];
	s0 =	simm.s32 @p0 $0x1  }
0x13: {  	[smem:$0x3FAD] =	sst s0;
	s0 =	simm.s32 @!p1 $0x0  }
0x14: {  	s2 =	sld [smem:$0x3F91];
	s0 =	simm.s32 @p1 $0x1  }
0x15: {  	[smem:$0x3FAE] =	sst s0;
	s0 =	simm.s32 @!p2 $0x0  }
0x16: {  	s3 =	sld [smem:$0x3FDB];
	s0 =	simm.s32 @p2 $0x1  }
0x17: {  	s4 =	simm.s32 $0x1BF5;
	[smem:$0x3FB0] =	sst s0  }
0x18: {  	s0 =	sld [smem:$0x3F93];
	_ =	swait.ge [sflag:s4], $0x0  }
0x19: {  	s7 =	sld [smem:$0x3F94]  }
0x1a: {  	s8 =	sadd.s32 $0xFFFFE003, lr  }
0x1b: {  	s9 =	sadd.s32 $0xFFFFFEF7, lr;
	s5 =	simm.s32 $0xFFFFFFFF;
	p2 =	slt.u32 s8, $0xFFFFF086  }
0x1c: {  	p1 =	slt.u32 s9, $0xF7A;
	s5 =	simm.s32 @!p2 $0x0  }
0x1d: {  	s5 =	simm.s32 @p1 $0x1;
	p0 =	seq.s32 s7, s2  }
0x1e: {  	s7 =	smul.u32 @!p0 $0xF7A, s2;
	p2 =	seq.s32 @!p0 s5, $0x0  }
0x1f: {  	s9 =	smul.u32 $0xF7A, s1;
	s8 =	simm.s32 @!p0 $0x1BF5;
	p2 =	por !p2, p0  }
0x20: {  	[sflag:s8] =	ssyncset.s32 @!p0 $0xFFFFF086;
	s6 =	sadd.s32 @!p0 s3, s7;
	s7 =	simm.s32 @!p0 $0x108  }
0x21: {  	s3 =	sadd.s32 s3, s9;
	s6 =	sadd.s32 @!p0 $0x88, s6;
	s7 =	simm.s32 @p2 $0x1082  }
0x22: {  	[simem:s7], [sflag:s8] =	dma.local @!p0 [hbm:s6], $0xF7A  }
0x23: {  	s9 =	sor.u32 $0xD0000000, s2;
	s6 =	simm.s32 $0x108;
	_ =	swait.ge @!p0 [sflag:s8], $0x0  }
0x24: {  	s3 =	sadd.s32 $0x88, s3;
	s6 =	simm.s32 @!p1 $0x1082;
	[sflag:s4] =	ssyncset.s32 $0xFFFFF086  }
0x25: {  	[simem:s6], [sflag:s4] =	dma.local [hbm:s3], $0xF7A  }
0x26: {  	[smem:$0x3F94] =	sst s1;
	(tag) =	ssettag s2;
	_ =	strace s9  }
0x27: {  	s1 =	sld [smem:$0x3FA4]  }
0x28: {  	s2 =	sld [smem:$0x3FA5]  }
0x29: {  	s4 =	sld [smem:$0x3FA7]  }
0x2a: {  	p0 =	seq.s32 s5, $0x0;
	s5 =	sld [smem:$0x3FA8]  }
0x2b: {  	s6 =	sld [smem:$0x3FA9]  }
0x2c: {  	s7 =	sld [smem:$0x3FAA]  }
0x2d: {  	s3 =	simm.s32 $0x108;
	s8 =	sld [smem:$0x3FAB]  }
0x2e: {  	s3 =	simm.s32 @!p0 $0x1082;
	s9 =	sld [smem:$0x3FAC]  }
0x2f: {  	lr =	sadd.s32 s0, s3;
	s0 =	sld [smem:$0x3FA3]  }
0x30: {  	s3 =	sld [smem:$0x3FA6]  }
0x31: {  	[smem:$0x3FAF] =	sst s10  }
0x32: {  	s10 =	sld [smem:$0x3FAD];
	_ =	sdelay $0x3  }
0x33: {  	p0 =	seq.s32 s10, $0x1;
	s10 =	sld [smem:$0x3FAF];
	_ =	sdelay $0x3  }
0x34: {  	[smem:$0x3FAF] =	sst s10  }
0x35: {  	s10 =	sld [smem:$0x3FAE];
	_ =	sdelay $0x3  }
0x36: {  	p1 =	seq.s32 s10, $0x1;
	s10 =	sld [smem:$0x3FAF];
	_ =	sdelay $0x3  }
0x37: {  	[smem:$0x3FAF] =	sst s10  }
0x38: {  	s10 =	sld [smem:$0x3FB0]  }
0x39: {  	_ = 	snop;
	(pc) =	sbr.ind lr, $3  }
0x3a: {  	_ = 	snop  }
0x3b: {  	_ = 	snop  }
0x3c: {  	p2 =	seq.s32 s10, $0x1;
	s10 =	sld [smem:$0x3FAF]  }
0x3d: {  	_ =	shalt  }
0x3e: {  	_ =	shalt  }
0x3f: {  	_ =	shalt  }
0x40: {  	_ =	shalt  }
0x41: {  	_ =	shalt  }
0x42: {  	_ =	shalt  }
0x43: {  	_ =	shalt  }
0x44: {  	_ =	shalt  }
0x45: {  	_ =	shalt  }
0x46: {  	_ =	shalt  }
0x47: {  	_ =	shalt  }
0x48: {  	_ =	shalt  }
0x49: {  	_ =	shalt  }
0x4a: {  	_ =	shalt  }
0x4b: {  	_ =	shalt  }
0x4c: {  	_ =	shalt  }
0x4d: {  	_ =	shalt  }
0x4e: {  	_ =	shalt  }
0x4f: {  	_ =	shalt  }
0x50: {  	_ =	shalt  }
0x51: {  	_ =	shalt  }
0x52: {  	_ =	shalt  }
0x53: {  	_ =	shalt  }
0x54: {  	_ =	shalt  }
0x55: {  	_ =	shalt  }
0x56: {  	_ =	shalt  }
0x57: {  	_ =	shalt  }
0x58: {  	_ =	shalt  }
0x59: {  	_ =	shalt  }
0x5a: {  	_ =	shalt  }
0x5b: {  	_ =	shalt  }
0x5c: {  	_ =	shalt  }
0x5d: {  	_ =	shalt  }
0x5e: {  	_ =	shalt  }
0x5f: {  	_ =	shalt  }
0x60: {  	_ =	shalt  }
0x61: {  	_ =	shalt  }
0x62: {  	_ =	shalt  }
0x63: {  	_ =	shalt  }
0x64: {  	_ =	shalt  }
0x65: {  	_ =	shalt  }
0x66: {  	_ =	shalt  }
0x67: {  	_ =	shalt  }
0x68: {  	_ =	shalt  }
0x69: {  	_ =	shalt  }
0x6a: {  	_ =	shalt  }
0x6b: {  	_ =	shalt  }
0x6c: {  	_ =	shalt  }
0x6d: {  	_ =	shalt  }
0x6e: {  	_ =	shalt  }
0x6f: {  	_ =	shalt  }
0x70: {  	_ =	shalt  }
0x71: {  	_ =	shalt  }
0x72: {  	_ =	shalt  }
0x73: {  	_ =	shalt  }
0x74: {  	_ =	shalt  }
0x75: {  	_ =	shalt  }
0x76: {  	_ =	shalt  }
0x77: {  	_ =	shalt  }
0x78: {  	_ =	shalt  }
0x79: {  	_ =	shalt  }
0x7a: {  	_ =	shalt  }
0x7b: {  	_ =	shalt  }
0x7c: {  	_ =	shalt  }
0x7d: {  	_ =	shalt  }
0x7e: {  	_ =	shalt  }
0x7f: {  	_ =	shalt  }
0x80: {  	_ =	shalt  }
0x81: {  	_ =	shalt  }
0x82: {  	_ =	shalt  }
0x83: {  	_ =	shalt  }
0x84: {  	_ =	shalt  }
0x85: {  	_ =	shalt  }
0x86: {  	_ =	shalt  }
0x87: {  	_ =	shalt  }
.Lfunc_end0:
.L_simem_size_0:
called_computation_lowered:
.L_overlay_start_0:
0x88: {  	s2 =	sld [smem:$0x3FD9]  }
0x89: {  	s3 =	sld [smem:$0x3FFE];
	_ =	sdelay $0x1  }
0x8a: {  	s1 =	srdreg.scid  }
0x8b: {  	s0 =	sand.u32 $0x1, s1  }
0x8c: {  	s17 =	sshll.u32 s0, $0xA;
	s2 =	sadd.s32 s3, s2  }
0x8d: {  	s2 =	sadd.s32 s2, s17  }
0x8e: {  	[smem:$0x3FBB] =	sst s2  }
0x8f: {  	_ = 	snop  }
0x90: {  	s2 =	sld [smem:$0x3FC8]  }
0x91: {  	s18 =	sld [smem:$0x3FC7]  }
0x92: {  	s4 =	sld [smem:$0x3FC6]  }
0x93: {  	s5 =	sld [smem:$0x3FC5]  }
0x94: {  	s6 =	sld [smem:$0x3FD0];
	(tm) =	ssettm $0x1  }
0x95: {  	s7 =	sld [smem:$0x3FFB];
	_ =	sdelay $0x3  }
0x96: {  	_ =	strace s7  }
0x97: {  	s7 =	sld [smem:$0x3FFC];
	_ =	sdelay $0x3  }
0x98: {  	_ =	strace s7  }
0x99: {  	s7 =	sld [smem:$0x3FFD];
	_ =	sdelay $0x3  }
0x9a: {  	_ =	strace s7  }
0x9b: {  	_ =	strace $0x8FFFFFFF  }
0x9c: {  	s19 =	sld [smem:$0x3FDB];
	_ =	sdelay $0x1  }
0x9d: {  	s8 =	simm.s32 $_scs_section_size  }
0x9e: {  	s9 =	simm.s32 $_size__tile_overlayer_lowered;
	s10 =	simm.s32 $_tile_overlayer_lowered  }
0x9f: {  	s22 =	simm.s32 $0x1BFF;
	s21 =	sshll.u32 s10, $0x1;
	s7 =	sadd.s32 s8, s19  }
0xa0: {  	s11 =	simm.s32 $0x0;
	s20 =	sshll.u32 s9, $0x1;
	s9 =	sadd.s32 s21, s7  }
0xa1: {  	[timem:s11], [sflag:s22] =	dma.local [hbm:s9], s20  }
0xa2: {  	_ =	swait.ge [sflag:s22], s20  }
0xa3: {  	s8 =	ssub.s32 $0x0, s20;
	[sflag:s22] =	ssyncset.done $0x0  }
0xa4: {  	[sflag:s22] =	ssyncadd.s32 s8;
	_ =	sdelay $0x1  }
0xa5: {  	s23 =	simm.s32 $0x1B8B  }
0xa6: {  	_ =	swait.ge [sflag:s23], $0x1  }
0xa7: {  	[sflag:s23] =	ssyncset.done $0x0  }
0xa8: {  	s25 =	simm.s32 $0x1B8E;
	s24 =	sld [smem:$0x3FFE];
	[sflag:s23] =	ssyncadd.s32 $0xFFFFFFFF  }
0xa9: {  	s26 =	simm.s32 $execute0_lowered;
	[smem:$0x3FD2] =	sst s25  }
0xaa: {  	s9 =	sshll.u32 s26, $0x1;
	_ =	strace $0x80000046;
	[dreg:$0x1] =	wrdreg $0xFFFFFFFF  }
0xab: {  	s28 =	simm.s32 $_size_execute0_lowered;
	s7 =	sadd.s32 s7, s9;
	[dreg:$0x0] =	wrdreg $0x0  }
0xac: {  	s9 =	sshll.u32 s28, $0x1;
	[dreg:$0x2] =	wrdreg s7  }
0xad: {  	[dreg:$0x3] =	wrdreg s9  }
0xae: {  	[dreg:$0x4] =	wrdreg $0xC0  }
0xaf: {  	_ =	task [dreg:s11], $0x5FFFF  }
0xb0: {  	[dreg:$0x1] =	wrdreg $0xFFFFFFFF  }
0xb1: {  	[dreg:$0x0] =	wrdreg $0x60  }
0xb2: {  	[dreg:$0x2] =	wrdreg s24  }
0xb3: {  	[dreg:$0x3] =	wrdreg s6  }
0xb4: {  	[dreg:$0x4] =	wrdreg s2  }
0xb5: {  	[dreg:$0x5] =	wrdreg s18  }
0xb6: {  	[dreg:$0x6] =	wrdreg s4  }
0xb7: {  	[dreg:$0x7] =	wrdreg s5  }
0xb8: {  	[dreg:$0x8] =	wrdreg $0x9  }
0xb9: {  	_ =	task.clear_ibuf [dreg:s11], $0x9FFFF;
	_ =	strace $0x90000046  }
0xba: {  	s29 =	simm.s32 $0x9;
	_ =	strace $0x80000048  }
0xbb: {  	_ =	swait.ge [sflag:s29], $0x1  }
0xbc: {  	[sflag:s29] =	ssyncadd.s32 $0xFFFFFFFF  }
0xbd: {  	_ =	strace $0x90000048  }
0xbe: {  	_ =	sfence  }
0xbf: {  	s30 =	sld [smem:$0x0];
	_ =	sdelay $0x2  }
0xc0: {  	s31 =	sshll.u32 s1, $0xD;
	s1 =	sshrl.u32 s1, $0x2  }
0xc1: {  	s3 =	sand.u32 $0x4000, s31;
	s1 =	sadd.s32 s1, s30  }
0xc2: {  	s0 =	sor.u32 s3, s0;
	s1 =	sshll.u32 s1, $0x11  }
0xc3: {  	s0 =	sor.u32 s1, s0  }
0xc4: {  	s0 =	sadd.s32 $0x8F2B, s0  }
0xc5: {  	[sflag:s0] =	ssyncadd.remote.s32 $0x1  }
0xc6: {  	_ =	sfence.sel $0xFFFF  }
0xc7: {  	[dreg:$0x0] =	wrdreg $0xFFFFFFFF;
	(pc) =	sbr.abs _section_cstart, $3  }
0xc8: {  	[dreg:$0x1] =	wrdreg $0xFFFFFFFF  }
0xc9: {  	_ =	task.clear_ibuf [dreg:s11], $0x2FFFF;
	_ =	strace $0x9FFFFFFF  }
0xca: {  	(tm) =	ssettm $0x7FFFFFFF  }
0xcb: {  	_ =	shalt  }
tec
execute0_lowered:
.L_overlay_start_1:
0x0: {  	(tag) =	ssettag $0x1  }
0x1: {  	s0 =	rddreg [dreg:$0x0]  }
0x2: {  	s3 =	rddreg [dreg:$0x1]  }
0x3: {  	s1 =	rddreg [dreg:$0x2]  }
0x4: {  	s2 =	rddreg [dreg:$0x3]  }
0x5: {  	s4 =	rddreg [dreg:$0x4]  }
0x6: {  	s5 =	rddreg [dreg:$0x5]  }
0x7: {  	s6 =	srdreg.scid;
	s8 =	stileid.u32;
	s28 =	simm.s32 $0x8400  }
0x8: {  	s29 =	simm.s32 $0x280;
	s30 =	simm.s32 $0xC400;
	s31 =	simm.s32 $0x10400  }
0x9: {  	s14 =	simm.s32 $0x0;
	s7 =	sand.u32 $0x1, s6;
	s6 =	simm.s32 $0x0  }
0xa: {  	s8 =	sshll.u32 s8, $0xA;
	s11 =	sadd.s32 $0x2400, s0;
	s9 =	sshll.u32 s7, $0x9  }
0xb: {  	s12 =	sadd.s32 $0x42400, s0;
	[smem:$0x7FF] =	sst s6;
	s8 =	sor.u32 s9, s8  }
0xc: {  	s7 =	ssub.s32 $0x2, s7;
	_ =	strace $0x80000047;
	s9 =	sshrl.u32 s8, $0x3  }
0xd: {  	s13 =	sshrl.u32 s7, $0x1;
	s8 =	sshll.u32 s8, $0x4;
	s3 =	sadd.s32 s3, s9  }
0xe: {  	s10 =	sadd.s32 s9, s0;
	s18 =	sadd.s32 s11, s8;
	[dreg:$0x8] =	wrdreg s3  }
0xf: {  	s0 =	sadd.s32 $0x82400, s0;
	s10 =	sadd.s32 $0x1C00, s10;
	[dreg:$0x9] =	wrdreg s18  }
0x10: {  	s19 =	sor.u32 $0x800, s8;
	s20 =	sadd.s32 s0, s8;
	[dreg:$0x7] =	wrdreg s10  }
0x11: {  	s22 =	sor.u32 $0x1000, s8;
	s21 =	sadd.s32 s11, s19;
	[dreg:$0xa] =	wrdreg s20  }
0x12: {  	s7 =	ssub.s32 s7, s13;
	s23 =	sadd.s32 s11, s22;
	[dreg:$0xb] =	wrdreg s21  }
0x13: {  	s25 =	sor.u32 $0x1800, s8;
	s24 =	sadd.s32 s0, s19;
	[dreg:$0xc] =	wrdreg s23  }
0x14: {  	s13 =	simm.s32 $0x380;
	s11 =	sadd.s32 s11, s25;
	[dreg:$0xd] =	wrdreg s24  }
0x15: {  	s9 =	simm.s32 $0x100;
	s8 =	sadd.s32 s12, s8;
	[dreg:$0xe] =	wrdreg s11  }
0x16: {  	s26 =	sadd.s32 s0, s22;
	s3 =	sadd.s32 s12, s19;
	[dreg:$0xf] =	wrdreg s8  }
0x17: {  	s18 =	sadd.s32 s12, s22;
	s19 =	sadd.s32 s0, s25;
	[dreg:$0x10] =	wrdreg s26  }
0x18: {  	s22 =	simm.s32 $0x5;
	s0 =	simm.s32 $0x14400;
	[dreg:$0x11] =	wrdreg s3  }
0x19: {  	s20 =	sadd.s32 s12, s25;
	s21 =	smax.u32 s7, $0x1;
	s23 =	simm.s32 $0x200  }
0x1a: {  	s24 =	simm.s32 $0x80;
	s25 =	simm.s32 $0x400;
	s26 =	simm.s32 $0x4400  }
0x1b: {  	s3 =	simm.s32 $0x1;
	s7 =	simm.s32 $0x2;
	s8 =	simm.s32 $0x3  }
0x1c: {  	s10 =	simm.s32 $0x4;
	s11 =	simm.s32 $0x300;
	s12 =	simm.s32 $0x180  }
.LBB2_1:
0x1d: {  	s15 =	rddreg [dreg:$0x7]  }
0x1e: {  	[tilespmem:s6], [sflag:$0x5] =	stream.linear.gather [hbm4b:s15+s6], $0x200, $0x38;
	[tilespmem:$0x18400] =	vst v63  }
0x1f: {  	_ =	swait.ge [sflag:s22], $0x200  }
0x20: {  	[sflag:s22] =	ssyncset.done $0x0  }
0x21: {  	s16 =	rddreg [dreg:$0x8];
	[sflag:s22] =	ssyncadd.s32 $0xFFFFFE00  }
0x22: {  	[tilespmem:s23], [sflag:$0x5] =	stream.linear.gather [hbm4b:s16+s6], $0x200, $0x38;
	[tilespmem:$0x18400] =	vst v63  }
0x23: {  	_ =	swait.ge [sflag:s22], $0x200  }
0x24: {  	[sflag:s22] =	ssyncset.done $0x0  }
0x25: {  	[sflag:s22] =	ssyncadd.s32 $0xFFFFFE00  }
0x26: {  	[tilespmem:s25], [sflag:$0x2] =	stream.indirect.gather [hbm4b:s4+s24], $0x80, s6, s24, $0xb8;
	[tilespmem:$0x18400] =	vst v63  }
0x27: {  	_ = 	snop  }
0x28: {  	[tilespmem:s26], [sflag:$0x2] =	stream.indirect.gather [hbm4b:s5+s24], $0x80, s23, s24, $0xb8;
	[tilespmem:$0x18400] =	vst v63  }
0x29: {  	_ = 	snop  }
0x2a: {  	[tilespmem:s28], [sflag:$0x2] =	stream.indirect.gather [hbm4b:s4+s24], $0x80, s24, s24, $0xb8;
	[tilespmem:$0x18400] =	vst v63  }
0x2b: {  	_ = 	snop  }
0x2c: {  	[tilespmem:s30], [sflag:$0x2] =	stream.indirect.gather [hbm4b:s5+s24], $0x80, s29, s24, $0xb8;
	[tilespmem:$0x18400] =	vst v63  }
0x2d: {  	_ = 	snop  }
0x2e: {  	[tilespmem:s31], [sflag:$0x1] =	stream.indirect.gather [hbm4b:s1+s24], $0x80, s6, s24, $0xb8;
	[tilespmem:$0x18400] =	vst v63  }
0x2f: {  	_ = 	snop  }
0x30: {  	[tilespmem:s0], [sflag:$0x1] =	stream.indirect.gather [hbm4b:s1+s24], $0x80, s24, s24, $0xb8;
	[tilespmem:$0x18400] =	vst v63  }
0x31: {  	_ =	swait.ge [sflag:s3], $0x4000  }
0x32: {  	[sflag:s3] =	ssyncset.done $0x0  }
0x33: {  	s17 =	rddreg [dreg:$0x9];
	[sflag:s3] =	ssyncadd.s32 $0xFFFFC000  }
0x34: {  	[hbm4b:s17+s6] =	stream.linear.scatter [tilespmem:s31], [sflag:$0x3], $0x4000, $0x38;
	[tilespmem:$0x18400] =	vst v63  }
0x35: {  	_ =	swait.ge [sflag:s7], $0x4000  }
0x36: {  	[sflag:s7] =	ssyncset.done $0x0  }
0x37: {  	[sflag:s7] =	ssyncadd.s32 $0xFFFFC000  }
0x38: {  	_ =	swait.ge [sflag:s7], $0x4000  }
0x39: {  	[sflag:s7] =	ssyncset.done $0x0  }
0x3a: {  	s15 =	simm.s32 $0x0;
	[sflag:s7] =	ssyncadd.s32 $0xFFFFC000  }
0x3b: {  	v7 =	vld [tilespmem:s15+$0x4400]  }
0x3c: {  	v11 =	vld [tilespmem:s15+$0x4410]  }
0x3d: {  	v5 =	vld [tilespmem:s15+$0x4420]  }
0x3e: {  	v4 =	vld [tilespmem:s15+$0x4430]  }
0x3f: {  	v3 =	vld [tilespmem:s15+$0x4440]  }
0x40: {  	v2 =	vld [tilespmem:s15+$0x4450]  }
0x41: {  	v1 =	vld [tilespmem:s15+$0x4460]  }
0x42: {  	v0 =	vld [tilespmem:s15+$0x4470]  }
0x43: {  	v12 =	vld [tilespmem:s15+$0x400]  }
0x44: {  	v13 =	vld [tilespmem:s15+$0x410]  }
0x45: {  	v10 =	vld [tilespmem:s15+$0x420]  }
0x46: {  	v9 =	vld [tilespmem:s15+$0x430]  }
0x47: {  	v8 =	vld [tilespmem:s15+$0x440]  }
0x48: {  	v6 =	vld [tilespmem:s15+$0x450];
	v12 =	vmul.f32 v7, v12  }
0x49: {  	s16 =	simm.s32 $0x200;
	v11 =	vmul.f32 v11, v13;
	v7 =	vld [tilespmem:s15+$0x460]  }
.LBB2_2:
0x4a: {  	s17 =	sshra.s32 s16, $0x2;
	p0 =	sne.s32 s16, $0xFE00;
	[tilespmem:s15+$0x400] =	vst v12;
	v5 =	vmul.f32 v5, v10;
	v10 =	vld [tilespmem:s15+$0x470]  }
0x4b: {  	v12 =	vld [tilespmem:s17+$0x4400];
	[tilespmem:s15+$0x410] =	vst v11;
	v4 =	vmul.f32 v4, v9  }
0x4c: {  	v11 =	vld [tilespmem:s17+$0x4410];
	[tilespmem:s15+$0x420] =	vst v5;
	v3 =	vmul.f32 v3, v8  }
0x4d: {  	v5 =	vld [tilespmem:s17+$0x4420];
	[tilespmem:s15+$0x430] =	vst v4;
	v2 =	vmul.f32 v2, v6  }
0x4e: {  	v4 =	vld [tilespmem:s17+$0x4430];
	[tilespmem:s15+$0x440] =	vst v3;
	v1 =	vmul.f32 v1, v7  }
0x4f: {  	v3 =	vld [tilespmem:s17+$0x4440];
	[tilespmem:s15+$0x450] =	vst v2;
	v0 =	vmul.f32 v0, v10  }
0x50: {  	v2 =	vld [tilespmem:s17+$0x4450];
	[tilespmem:s15+$0x460] =	vst v1  }
0x51: {  	v1 =	vld [tilespmem:s17+$0x4460];
	[tilespmem:s15+$0x470] =	vst v0;
	s15 =	smov.u32 s17  }
0x52: {  	v0 =	vld [tilespmem:s15+$0x4470]  }
0x53: {  	v6 =	vld [tilespmem:s15+$0x400]  }
0x54: {  	v7 =	vld [tilespmem:s15+$0x410]  }
.Ltmp0:
0x55: {  	v10 =	vld [tilespmem:s15+$0x420];
	(pc) =	sbr.rel @p0 .LBB2_2-.Ltmp0, $4  }
0x56: {  	v9 =	vld [tilespmem:s15+$0x430]  }
0x57: {  	v8 =	vld [tilespmem:s15+$0x440]  }
0x58: {  	v12 =	vmul.f32 v12, v6;
	v6 =	vld [tilespmem:s15+$0x450]  }
0x59: {  	s16 =	sadd.s32 $0x200, s16;
	v11 =	vmul.f32 v11, v7;
	v7 =	vld [tilespmem:s15+$0x460]  }
0x5a: {  	[tilespmem:s15+$0x400] =	vst v12;
	v5 =	vmul.f32 v5, v10;
	v10 =	vld [tilespmem:s15+$0x470]  }
0x5b: {  	[tilespmem:s15+$0x410] =	vst v11;
	v4 =	vmul.f32 v4, v9  }
0x5c: {  	[tilespmem:s15+$0x420] =	vst v5;
	v3 =	vmul.f32 v3, v8  }
0x5d: {  	[tilespmem:s15+$0x430] =	vst v4;
	v2 =	vmul.f32 v2, v6  }
0x5e: {  	[tilespmem:s15+$0x440] =	vst v3;
	v1 =	vmul.f32 v1, v7  }
0x5f: {  	[tilespmem:s15+$0x450] =	vst v2;
	v0 =	vmul.f32 v0, v10  }
0x60: {  	[tilespmem:s15+$0x460] =	vst v1  }
0x61: {  	s16 =	rddreg [dreg:$0xa];
	[tilespmem:s15+$0x470] =	vst v0;
	s15 =	simm.s32 $0x0  }
0x62: {  	[hbm4b:s16+s15] =	stream.linear.scatter [tilespmem:s25], [sflag:$0x4], $0x4000, $0x38;
	[tilespmem:$0x18400] =	vst v63  }
0x63: {  	_ =	swait.ge [sflag:s8], $0x4000  }
0x64: {  	[sflag:s8] =	ssyncset.done $0x0  }
0x65: {  	[sflag:s8] =	ssyncadd.s32 $0xFFFFC000  }
0x66: {  	[tilespmem:s31], [sflag:$0x1] =	stream.indirect.gather [hbm4b:s1+s24], $0x80, s9, s24, $0xb8;
	[tilespmem:$0x18400] =	vst v63  }
0x67: {  	_ =	swait.ge [sflag:s3], $0x4000  }
0x68: {  	[sflag:s3] =	ssyncset.done $0x0  }
0x69: {  	s17 =	rddreg [dreg:$0xb];
	[sflag:s3] =	ssyncadd.s32 $0xFFFFC000  }
0x6a: {  	[hbm4b:s17+s15] =	stream.linear.scatter [tilespmem:s0], [sflag:$0x3], $0x4000, $0x38;
	[tilespmem:$0x18400] =	vst v63  }
0x6b: {  	_ =	swait.ge [sflag:s10], $0x4000  }
0x6c: {  	[sflag:s10] =	ssyncset.done $0x0  }
0x6d: {  	[sflag:s10] =	ssyncadd.s32 $0xFFFFC000  }
0x6e: {  	[tilespmem:s25], [sflag:$0x2] =	stream.indirect.gather [hbm4b:s4+s24], $0x80, s9, s24, $0xb8;
	[tilespmem:$0x18400] =	vst v63  }
0x6f: {  	_ = 	snop  }
0x70: {  	[tilespmem:s26], [sflag:$0x2] =	stream.indirect.gather [hbm4b:s5+s24], $0x80, s11, s24, $0xb8;
	[tilespmem:$0x18400] =	vst v63  }
0x71: {  	_ =	swait.ge [sflag:s8], $0x4000  }
0x72: {  	[sflag:s8] =	ssyncset.done $0x0  }
0x73: {  	[sflag:s8] =	ssyncadd.s32 $0xFFFFC000  }
0x74: {  	[tilespmem:s0], [sflag:$0x1] =	stream.indirect.gather [hbm4b:s1+s24], $0x80, s12, s24, $0xb8;
	[tilespmem:$0x18400] =	vst v63  }
0x75: {  	_ =	swait.ge [sflag:s3], $0x4000  }
0x76: {  	[sflag:s3] =	ssyncset.done $0x0  }
0x77: {  	s17 =	rddreg [dreg:$0xc];
	[sflag:s3] =	ssyncadd.s32 $0xFFFFC000  }
0x78: {  	[hbm4b:s17+s15] =	stream.linear.scatter [tilespmem:s31], [sflag:$0x3], $0x4000, $0x38;
	[tilespmem:$0x18400] =	vst v63  }
0x79: {  	_ =	swait.ge [sflag:s7], $0x4000  }
0x7a: {  	[sflag:s7] =	ssyncset.done $0x0  }
0x7b: {  	[sflag:s7] =	ssyncadd.s32 $0xFFFFC000  }
0x7c: {  	_ =	swait.ge [sflag:s7], $0x4000  }
0x7d: {  	[sflag:s7] =	ssyncset.done $0x0  }
0x7e: {  	s15 =	simm.s32 $0x0;
	[sflag:s7] =	ssyncadd.s32 $0xFFFFC000  }
0x7f: {  	v7 =	vld [tilespmem:s15+$0xC400]  }
0x80: {  	v11 =	vld [tilespmem:s15+$0xC410]  }
0x81: {  	v5 =	vld [tilespmem:s15+$0xC420]  }
0x82: {  	v4 =	vld [tilespmem:s15+$0xC430]  }
0x83: {  	v3 =	vld [tilespmem:s15+$0xC440]  }
0x84: {  	v2 =	vld [tilespmem:s15+$0xC450]  }
0x85: {  	v1 =	vld [tilespmem:s15+$0xC460]  }
0x86: {  	v0 =	vld [tilespmem:s15+$0xC470]  }
0x87: {  	v12 =	vld [tilespmem:s15+$0x8400]  }
0x88: {  	v13 =	vld [tilespmem:s15+$0x8410]  }
0x89: {  	v10 =	vld [tilespmem:s15+$0x8420]  }
0x8a: {  	v9 =	vld [tilespmem:s15+$0x8430]  }
0x8b: {  	v8 =	vld [tilespmem:s15+$0x8440]  }
0x8c: {  	v6 =	vld [tilespmem:s15+$0x8450];
	v12 =	vmul.f32 v7, v12  }
0x8d: {  	s16 =	simm.s32 $0x200;
	v11 =	vmul.f32 v11, v13;
	v7 =	vld [tilespmem:s15+$0x8460]  }
.LBB2_4:
0x8e: {  	s17 =	sshra.s32 s16, $0x2;
	p0 =	sne.s32 s16, $0xFE00;
	[tilespmem:s15+$0x8400] =	vst v12;
	v5 =	vmul.f32 v5, v10;
	v10 =	vld [tilespmem:s15+$0x8470]  }
0x8f: {  	v12 =	vld [tilespmem:s17+$0xC400];
	[tilespmem:s15+$0x8410] =	vst v11;
	v4 =	vmul.f32 v4, v9  }
0x90: {  	v11 =	vld [tilespmem:s17+$0xC410];
	[tilespmem:s15+$0x8420] =	vst v5;
	v3 =	vmul.f32 v3, v8  }
0x91: {  	v5 =	vld [tilespmem:s17+$0xC420];
	[tilespmem:s15+$0x8430] =	vst v4;
	v2 =	vmul.f32 v2, v6  }
0x92: {  	v4 =	vld [tilespmem:s17+$0xC430];
	[tilespmem:s15+$0x8440] =	vst v3;
	v1 =	vmul.f32 v1, v7  }
0x93: {  	v3 =	vld [tilespmem:s17+$0xC440];
	[tilespmem:s15+$0x8450] =	vst v2;
	v0 =	vmul.f32 v0, v10  }
0x94: {  	v2 =	vld [tilespmem:s17+$0xC450];
	[tilespmem:s15+$0x8460] =	vst v1  }
0x95: {  	v1 =	vld [tilespmem:s17+$0xC460];
	[tilespmem:s15+$0x8470] =	vst v0;
	s15 =	smov.u32 s17  }
0x96: {  	v0 =	vld [tilespmem:s15+$0xC470]  }
0x97: {  	v6 =	vld [tilespmem:s15+$0x8400]  }
0x98: {  	v7 =	vld [tilespmem:s15+$0x8410]  }
.Ltmp1:
0x99: {  	v10 =	vld [tilespmem:s15+$0x8420];
	(pc) =	sbr.rel @p0 .LBB2_4-.Ltmp1, $4  }
0x9a: {  	v9 =	vld [tilespmem:s15+$0x8430]  }
0x9b: {  	v8 =	vld [tilespmem:s15+$0x8440]  }
0x9c: {  	v12 =	vmul.f32 v12, v6;
	v6 =	vld [tilespmem:s15+$0x8450]  }
0x9d: {  	s16 =	sadd.s32 $0x200, s16;
	v11 =	vmul.f32 v11, v7;
	v7 =	vld [tilespmem:s15+$0x8460]  }
0x9e: {  	[tilespmem:s15+$0x8400] =	vst v12;
	v5 =	vmul.f32 v5, v10;
	v10 =	vld [tilespmem:s15+$0x8470]  }
0x9f: {  	[tilespmem:s15+$0x8410] =	vst v11;
	v4 =	vmul.f32 v4, v9  }
0xa0: {  	[tilespmem:s15+$0x8420] =	vst v5;
	v3 =	vmul.f32 v3, v8  }
0xa1: {  	[tilespmem:s15+$0x8430] =	vst v4;
	v2 =	vmul.f32 v2, v6  }
0xa2: {  	[tilespmem:s15+$0x8440] =	vst v3;
	v1 =	vmul.f32 v1, v7  }
0xa3: {  	[tilespmem:s15+$0x8450] =	vst v2;
	v0 =	vmul.f32 v0, v10  }
0xa4: {  	[tilespmem:s15+$0x8460] =	vst v1  }
0xa5: {  	s16 =	rddreg [dreg:$0xd];
	[tilespmem:s15+$0x8470] =	vst v0;
	s15 =	simm.s32 $0x0  }
0xa6: {  	[hbm4b:s16+s15] =	stream.linear.scatter [tilespmem:s28], [sflag:$0x4], $0x4000, $0x38;
	[tilespmem:$0x18400] =	vst v63  }
0xa7: {  	_ =	swait.ge [sflag:s8], $0x4000  }
0xa8: {  	[sflag:s8] =	ssyncset.done $0x0  }
0xa9: {  	[sflag:s8] =	ssyncadd.s32 $0xFFFFC000  }
0xaa: {  	[tilespmem:s31], [sflag:$0x1] =	stream.indirect.gather [hbm4b:s2+s24], $0x80, s23, s24, $0xb8;
	[tilespmem:$0x18400] =	vst v63  }
0xab: {  	_ =	swait.ge [sflag:s3], $0x4000  }
0xac: {  	[sflag:s3] =	ssyncset.done $0x0  }
0xad: {  	s17 =	rddreg [dreg:$0xe];
	[sflag:s3] =	ssyncadd.s32 $0xFFFFC000  }
0xae: {  	[hbm4b:s17+s15] =	stream.linear.scatter [tilespmem:s0], [sflag:$0x3], $0x4000, $0x38;
	[tilespmem:$0x18400] =	vst v63  }
0xaf: {  	_ =	swait.ge [sflag:s10], $0x4000  }
0xb0: {  	[sflag:s10] =	ssyncset.done $0x0  }
0xb1: {  	[sflag:s10] =	ssyncadd.s32 $0xFFFFC000  }
0xb2: {  	[tilespmem:s28], [sflag:$0x2] =	stream.indirect.gather [hbm4b:s4+s24], $0x80, s12, s24, $0xb8;
	[tilespmem:$0x18400] =	vst v63  }
0xb3: {  	_ = 	snop  }
0xb4: {  	[tilespmem:s30], [sflag:$0x2] =	stream.indirect.gather [hbm4b:s5+s24], $0x80, s13, s24, $0xb8;
	[tilespmem:$0x18400] =	vst v63  }
0xb5: {  	_ =	swait.ge [sflag:s8], $0x4000  }
0xb6: {  	[sflag:s8] =	ssyncset.done $0x0  }
0xb7: {  	[sflag:s8] =	ssyncadd.s32 $0xFFFFC000  }
0xb8: {  	[tilespmem:s0], [sflag:$0x1] =	stream.indirect.gather [hbm4b:s2+s24], $0x80, s29, s24, $0xb8;
	[tilespmem:$0x18400] =	vst v63  }
0xb9: {  	_ =	swait.ge [sflag:s3], $0x4000  }
0xba: {  	[sflag:s3] =	ssyncset.done $0x0  }
0xbb: {  	s17 =	rddreg [dreg:$0xf];
	[sflag:s3] =	ssyncadd.s32 $0xFFFFC000  }
0xbc: {  	[hbm4b:s17+s15] =	stream.linear.scatter [tilespmem:s31], [sflag:$0x3], $0x4000, $0x38;
	[tilespmem:$0x18400] =	vst v63  }
0xbd: {  	_ =	swait.ge [sflag:s7], $0x4000  }
0xbe: {  	[sflag:s7] =	ssyncset.done $0x0  }
0xbf: {  	[sflag:s7] =	ssyncadd.s32 $0xFFFFC000  }
0xc0: {  	_ =	swait.ge [sflag:s7], $0x4000  }
0xc1: {  	[sflag:s7] =	ssyncset.done $0x0  }
0xc2: {  	s15 =	simm.s32 $0x0;
	[sflag:s7] =	ssyncadd.s32 $0xFFFFC000  }
0xc3: {  	v7 =	vld [tilespmem:s15+$0x4400]  }
0xc4: {  	v11 =	vld [tilespmem:s15+$0x4410]  }
0xc5: {  	v5 =	vld [tilespmem:s15+$0x4420]  }
0xc6: {  	v4 =	vld [tilespmem:s15+$0x4430]  }
0xc7: {  	v3 =	vld [tilespmem:s15+$0x4440]  }
0xc8: {  	v2 =	vld [tilespmem:s15+$0x4450]  }
0xc9: {  	v1 =	vld [tilespmem:s15+$0x4460]  }
0xca: {  	v0 =	vld [tilespmem:s15+$0x4470]  }
0xcb: {  	v12 =	vld [tilespmem:s15+$0x400]  }
0xcc: {  	v13 =	vld [tilespmem:s15+$0x410]  }
0xcd: {  	v10 =	vld [tilespmem:s15+$0x420]  }
0xce: {  	v9 =	vld [tilespmem:s15+$0x430]  }
0xcf: {  	v8 =	vld [tilespmem:s15+$0x440]  }
0xd0: {  	v6 =	vld [tilespmem:s15+$0x450];
	v12 =	vmul.f32 v7, v12  }
0xd1: {  	s16 =	simm.s32 $0x200;
	v11 =	vmul.f32 v11, v13;
	v7 =	vld [tilespmem:s15+$0x460]  }
.LBB2_6:
0xd2: {  	s17 =	sshra.s32 s16, $0x2;
	p0 =	sne.s32 s16, $0xFE00;
	[tilespmem:s15+$0x400] =	vst v12;
	v5 =	vmul.f32 v5, v10;
	v10 =	vld [tilespmem:s15+$0x470]  }
0xd3: {  	v12 =	vld [tilespmem:s17+$0x4400];
	[tilespmem:s15+$0x410] =	vst v11;
	v4 =	vmul.f32 v4, v9  }
0xd4: {  	v11 =	vld [tilespmem:s17+$0x4410];
	[tilespmem:s15+$0x420] =	vst v5;
	v3 =	vmul.f32 v3, v8  }
0xd5: {  	v5 =	vld [tilespmem:s17+$0x4420];
	[tilespmem:s15+$0x430] =	vst v4;
	v2 =	vmul.f32 v2, v6  }
0xd6: {  	v4 =	vld [tilespmem:s17+$0x4430];
	[tilespmem:s15+$0x440] =	vst v3;
	v1 =	vmul.f32 v1, v7  }
0xd7: {  	v3 =	vld [tilespmem:s17+$0x4440];
	[tilespmem:s15+$0x450] =	vst v2;
	v0 =	vmul.f32 v0, v10  }
0xd8: {  	v2 =	vld [tilespmem:s17+$0x4450];
	[tilespmem:s15+$0x460] =	vst v1  }
0xd9: {  	v1 =	vld [tilespmem:s17+$0x4460];
	[tilespmem:s15+$0x470] =	vst v0;
	s15 =	smov.u32 s17  }
0xda: {  	v0 =	vld [tilespmem:s15+$0x4470]  }
0xdb: {  	v6 =	vld [tilespmem:s15+$0x400]  }
0xdc: {  	v7 =	vld [tilespmem:s15+$0x410]  }
.Ltmp2:
0xdd: {  	v10 =	vld [tilespmem:s15+$0x420];
	(pc) =	sbr.rel @p0 .LBB2_6-.Ltmp2, $4  }
0xde: {  	v9 =	vld [tilespmem:s15+$0x430]  }
0xdf: {  	v8 =	vld [tilespmem:s15+$0x440]  }
0xe0: {  	v12 =	vmul.f32 v12, v6;
	v6 =	vld [tilespmem:s15+$0x450]  }
0xe1: {  	s16 =	sadd.s32 $0x200, s16;
	v11 =	vmul.f32 v11, v7;
	v7 =	vld [tilespmem:s15+$0x460]  }
0xe2: {  	[tilespmem:s15+$0x400] =	vst v12;
	v5 =	vmul.f32 v5, v10;
	v10 =	vld [tilespmem:s15+$0x470]  }
0xe3: {  	[tilespmem:s15+$0x410] =	vst v11;
	v4 =	vmul.f32 v4, v9  }
0xe4: {  	[tilespmem:s15+$0x420] =	vst v5;
	v3 =	vmul.f32 v3, v8  }
0xe5: {  	[tilespmem:s15+$0x430] =	vst v4;
	v2 =	vmul.f32 v2, v6  }
0xe6: {  	[tilespmem:s15+$0x440] =	vst v3;
	v1 =	vmul.f32 v1, v7  }
0xe7: {  	[tilespmem:s15+$0x450] =	vst v2;
	v0 =	vmul.f32 v0, v10  }
0xe8: {  	[tilespmem:s15+$0x460] =	vst v1  }
0xe9: {  	s16 =	rddreg [dreg:$0x10];
	[tilespmem:s15+$0x470] =	vst v0;
	s15 =	simm.s32 $0x0  }
0xea: {  	[hbm4b:s16+s15] =	stream.linear.scatter [tilespmem:s25], [sflag:$0x4], $0x4000, $0x38;
	[tilespmem:$0x18400] =	vst v63  }
0xeb: {  	_ =	swait.ge [sflag:s8], $0x4000  }
0xec: {  	[sflag:s8] =	ssyncset.done $0x0  }
0xed: {  	[sflag:s8] =	ssyncadd.s32 $0xFFFFC000  }
0xee: {  	[tilespmem:s31], [sflag:$0x1] =	stream.indirect.gather [hbm4b:s2+s24], $0x80, s11, s24, $0xb8;
	[tilespmem:$0x18400] =	vst v63  }
0xef: {  	_ =	swait.ge [sflag:s3], $0x4000  }
0xf0: {  	[sflag:s3] =	ssyncset.done $0x0  }
0xf1: {  	s17 =	rddreg [dreg:$0x11];
	[sflag:s3] =	ssyncadd.s32 $0xFFFFC000  }
0xf2: {  	[hbm4b:s17+s15] =	stream.linear.scatter [tilespmem:s0], [sflag:$0x3], $0x4000, $0x38;
	[tilespmem:$0x18400] =	vst v63  }
0xf3: {  	_ =	swait.ge [sflag:s8], $0x4000  }
0xf4: {  	[sflag:s8] =	ssyncset.done $0x0  }
0xf5: {  	[sflag:s8] =	ssyncadd.s32 $0xFFFFC000  }
0xf6: {  	[tilespmem:s0], [sflag:$0x1] =	stream.indirect.gather [hbm4b:s2+s24], $0x80, s13, s24, $0xb8;
	[tilespmem:$0x18400] =	vst v63  }
0xf7: {  	_ =	swait.ge [sflag:s3], $0x4000  }
0xf8: {  	[sflag:s3] =	ssyncset.done $0x0  }
0xf9: {  	[sflag:s3] =	ssyncadd.s32 $0xFFFFC000  }
0xfa: {  	[hbm4b:s18+s15] =	stream.linear.scatter [tilespmem:s31], [sflag:$0x3], $0x4000, $0x38;
	[tilespmem:$0x18400] =	vst v63  }
0xfb: {  	_ =	swait.ge [sflag:s7], $0x4000  }
0xfc: {  	[sflag:s7] =	ssyncset.done $0x0  }
0xfd: {  	[sflag:s7] =	ssyncadd.s32 $0xFFFFC000  }
0xfe: {  	_ =	swait.ge [sflag:s7], $0x4000  }
0xff: {  	[sflag:s7] =	ssyncset.done $0x0  }
0x100: {  	s15 =	simm.s32 $0x0;
	[sflag:s7] =	ssyncadd.s32 $0xFFFFC000  }
0x101: {  	v7 =	vld [tilespmem:s15+$0xC400]  }
0x102: {  	v11 =	vld [tilespmem:s15+$0xC410]  }
0x103: {  	v5 =	vld [tilespmem:s15+$0xC420]  }
0x104: {  	v4 =	vld [tilespmem:s15+$0xC430]  }
0x105: {  	v3 =	vld [tilespmem:s15+$0xC440]  }
0x106: {  	v2 =	vld [tilespmem:s15+$0xC450]  }
0x107: {  	v1 =	vld [tilespmem:s15+$0xC460]  }
0x108: {  	v0 =	vld [tilespmem:s15+$0xC470]  }
0x109: {  	v12 =	vld [tilespmem:s15+$0x8400]  }
0x10a: {  	v13 =	vld [tilespmem:s15+$0x8410]  }
0x10b: {  	v10 =	vld [tilespmem:s15+$0x8420]  }
0x10c: {  	v9 =	vld [tilespmem:s15+$0x8430]  }
0x10d: {  	v8 =	vld [tilespmem:s15+$0x8440]  }
0x10e: {  	v6 =	vld [tilespmem:s15+$0x8450];
	v12 =	vmul.f32 v7, v12  }
0x10f: {  	s16 =	simm.s32 $0x200;
	v11 =	vmul.f32 v11, v13;
	v7 =	vld [tilespmem:s15+$0x8460]  }
.LBB2_8:
0x110: {  	s17 =	sshra.s32 s16, $0x2;
	p0 =	sne.s32 s16, $0xFE00;
	[tilespmem:s15+$0x8400] =	vst v12;
	v5 =	vmul.f32 v5, v10;
	v10 =	vld [tilespmem:s15+$0x8470]  }
0x111: {  	v12 =	vld [tilespmem:s17+$0xC400];
	[tilespmem:s15+$0x8410] =	vst v11;
	v4 =	vmul.f32 v4, v9  }
0x112: {  	v11 =	vld [tilespmem:s17+$0xC410];
	[tilespmem:s15+$0x8420] =	vst v5;
	v3 =	vmul.f32 v3, v8  }
0x113: {  	v5 =	vld [tilespmem:s17+$0xC420];
	[tilespmem:s15+$0x8430] =	vst v4;
	v2 =	vmul.f32 v2, v6  }
0x114: {  	v4 =	vld [tilespmem:s17+$0xC430];
	[tilespmem:s15+$0x8440] =	vst v3;
	v1 =	vmul.f32 v1, v7  }
0x115: {  	v3 =	vld [tilespmem:s17+$0xC440];
	[tilespmem:s15+$0x8450] =	vst v2;
	v0 =	vmul.f32 v0, v10  }
0x116: {  	v2 =	vld [tilespmem:s17+$0xC450];
	[tilespmem:s15+$0x8460] =	vst v1  }
0x117: {  	v1 =	vld [tilespmem:s17+$0xC460];
	[tilespmem:s15+$0x8470] =	vst v0;
	s15 =	smov.u32 s17  }
0x118: {  	v0 =	vld [tilespmem:s15+$0xC470]  }
0x119: {  	v6 =	vld [tilespmem:s15+$0x8400]  }
0x11a: {  	v7 =	vld [tilespmem:s15+$0x8410]  }
.Ltmp3:
0x11b: {  	v10 =	vld [tilespmem:s15+$0x8420];
	(pc) =	sbr.rel @p0 .LBB2_8-.Ltmp3, $4  }
0x11c: {  	v9 =	vld [tilespmem:s15+$0x8430]  }
0x11d: {  	v8 =	vld [tilespmem:s15+$0x8440]  }
0x11e: {  	v12 =	vmul.f32 v12, v6;
	v6 =	vld [tilespmem:s15+$0x8450]  }
0x11f: {  	s16 =	sadd.s32 $0x200, s16;
	v11 =	vmul.f32 v11, v7;
	v7 =	vld [tilespmem:s15+$0x8460]  }
0x120: {  	[tilespmem:s15+$0x8400] =	vst v12;
	v5 =	vmul.f32 v5, v10;
	v63 =	vld [tilespmem:s15+$0x8470]  }
0x121: {  	[tilespmem:s15+$0x8410] =	vst v11;
	v4 =	vmul.f32 v4, v9  }
0x122: {  	[tilespmem:s15+$0x8420] =	vst v5;
	v3 =	vmul.f32 v3, v8  }
0x123: {  	[tilespmem:s15+$0x8430] =	vst v4;
	v2 =	vmul.f32 v2, v6  }
0x124: {  	[tilespmem:s15+$0x8440] =	vst v3;
	v1 =	vmul.f32 v1, v7  }
0x125: {  	[tilespmem:s15+$0x8450] =	vst v2;
	v0 =	vmul.f32 v0, v63  }
0x126: {  	[tilespmem:s15+$0x8460] =	vst v1  }
0x127: {  	[tilespmem:s15+$0x8470] =	vst v0  }
0x128: {  	[hbm4b:s19+s6] =	stream.linear.scatter [tilespmem:s28], [sflag:$0x4], $0x4000, $0x38;
	[tilespmem:$0x18400] =	vst v63  }
0x129: {  	_ =	swait.ge [sflag:s3], $0x4000  }
0x12a: {  	[sflag:s3] =	ssyncset.done $0x0  }
0x12b: {  	[sflag:s3] =	ssyncadd.s32 $0xFFFFC000  }
0x12c: {  	[hbm4b:s20+s6] =	stream.linear.scatter [tilespmem:s0], [sflag:$0x3], $0x4000, $0x38;
	[tilespmem:$0x18400] =	vst v63  }
0x12d: {  	_ =	swait.ge [sflag:s8], $0x4000  }
0x12e: {  	[sflag:s8] =	ssyncset.done $0x0  }
0x12f: {  	[sflag:s8] =	ssyncadd.s32 $0xFFFFC000  }
0x130: {  	_ =	swait.ge [sflag:s8], $0x4000  }
0x131: {  	[sflag:s8] =	ssyncset.done $0x0  }
0x132: {  	s14 =	sadd.s32 $0x1, s14;
	[sflag:s8] =	ssyncadd.s32 $0xFFFFC000  }
0x133: {  	p0 =	sne.s32 s14, s21;
	_ =	swait.ge [sflag:s10], $0x4000  }
.Ltmp4:
0x134: {  	[sflag:s10] =	ssyncset.done $0x0;
	(pc) =	sbr.rel @p0 .LBB2_1-.Ltmp4, $4  }
0x135: {  	[sflag:s10] =	ssyncadd.s32 $0xFFFFC000  }
0x136: {  	_ =	swait.ge [sflag:s10], $0x4000  }
0x137: {  	[sflag:s10] =	ssyncset.done $0x0  }
0x138: {  	[sflag:s10] =	ssyncadd.s32 $0xFFFFC000  }
0x139: {  	_ =	sfence.sel $0x180000  }
0x13a: {  	[bflag:$0x0] =	sbarrier.arrive $0xFFFF  }
0x13b: {  	_ =	strace $0x90000047  }
0x13c: {  	s0 =	stileid.u32;
	[bflag:$0x2] =	sbarrier.arrive $0xFFFF  }
0x13d: {  	p0 =	sne.s32 s0, $0x0;
	s0 =	rddreg [dreg:$0x6]  }
0x13e: {  	s0 =	sadd.s32 @!p0 $0x100000, s0  }
0x13f: {  	[sflag:s0] =	ssyncadd.tile.s32 @!p0 $0x1;
	_ =	shalt  }
.Lfunc_end2:
_tile_overlayer_lowered:
.L_overlay_start_2:
0x140: {  	(tag) =	ssettag $0x2  }
0x141: {  	s0 =	rddreg [dreg:$0x0];
	s2 =	stileid.u32  }
0x142: {  	s1 =	rddreg [dreg:$0x1];
	p0 =	sne.s32 s2, $0x0  }
0x143: {  	s3 =	rddreg [dreg:$0x2];
	[bflag:$0x3] =	sbarrier.arrive $0xFFFF;
	s2 =	simm.s32 @!p0 $0x1C05  }
0x144: {  	[timem:s3], [sflag:s2] =	dma.local @!p0 [hbm:s0], s1  }
0x145: {  	s0 =	simm.s32 @!p0 $0x5  }
0x146: {  	_ =	swait.ge @!p0 [sflag:s0], s1  }
0x147: {  	s1 =	ssub.s32 @!p0 $0x0, s1;
	[sflag:s0] =	ssyncset.done @!p0 $0x0  }
0x148: {  	[sflag:s0] =	ssyncadd.s32 @!p0 s1  }
0x149: {  	[bflag:$0x3] =	sbarrier.arrive $0xFFFF  }
0x14a: {  	_ =	shalt  }

</sc_bundles>
